<compile_context>
chip_gen: v7x
topology: tpu7x:2x2x1
jax: 0.10.2.dev20260603
libtpu: 0.0.44.dev20260713+nightly
codegen_flags: <defaults>
</compile_context>

<pallas_src>
import functools

import jax
import jax.numpy as jnp
from jax import lax
from jax.experimental import pallas as pl
from jax.experimental.pallas import tpu as pltpu
from jax.experimental.pallas import tpu_sc as plsc

E = 8
TOP_K = 2
D_MODEL = 1024
D_FF = 1024
T = 2048
E_PAD = 128
NEG = -1e30

TILE = 256
NTILES = 24
S_MAX = NTILES * TILE
NR = T * TOP_K
NC = 2
NW = 32
TPW = T // NW


def _sc_mesh():
    return plsc.VectorSubcoreMesh(core_axis_name="c", subcore_axis_name="s")


def _router_plan_body(x_ref, gw_ref, ids_ref, w_ref, slot_ref, te_ref, used_ref):
    logits = jnp.dot(x_ref[...], gw_ref[...],
                     preferred_element_type=jnp.float32)
    col = lax.broadcasted_iota(jnp.int32, logits.shape, 1)
    logits = jnp.where(col < E, logits, NEG)
    m1 = jnp.max(logits, axis=1, keepdims=True)
    id1 = jnp.min(jnp.where(logits == m1, col, E_PAD), axis=1, keepdims=True)
    logits2 = jnp.where(col == id1, NEG, logits)
    m2 = jnp.max(logits2, axis=1, keepdims=True)
    id2 = jnp.min(jnp.where(logits2 == m2, col, E_PAD), axis=1, keepdims=True)
    w1 = 1.0 / (1.0 + jnp.exp(m2 - m1))
    ids_ref[:, 0:1] = id1
    ids_ref[:, 1:2] = id2
    w_ref[:, 0:1] = w1
    w_ref[:, 1:2] = 1.0 - w1

    eT = lax.broadcasted_iota(jnp.int32, (T, E), 1)
    m0 = (eT == id1).astype(jnp.float32)
    m1 = (eT == id2).astype(jnp.float32)
    m01 = jnp.concatenate([m0, m1], axis=1)
    ch = 128
    tri = (lax.broadcasted_iota(jnp.int32, (ch, ch), 0)
           >= lax.broadcasted_iota(jnp.int32, (ch, ch), 1)).astype(jnp.float32)
    blocks = []
    carry = jnp.zeros((1, 2 * E), jnp.float32)
    for cidx in range(T // ch):
        blk = jnp.dot(tri, m01[cidx * ch:(cidx + 1) * ch, :],
                      preferred_element_type=jnp.float32) + carry
        blocks.append(blk)
        carry = blk[ch - 1:ch, :]
    s01 = jnp.concatenate(blocks, axis=0)
    counts0 = carry[:, :E]
    counts = counts0 + carry[:, E:]
    padded = jnp.ceil(counts / TILE) * TILE
    inc = padded
    for shl in (1, 2, 4):
        inc = inc + jnp.concatenate(
            [jnp.zeros((1, shl), jnp.float32), inc[:, :-shl]], axis=1)
    off = inc - padded
    s0 = s01[:, :E]
    s1 = s01[:, E:] + counts0
    slot_ref[:, 0:1] = jnp.sum(
        m0 * (s0 - m0 + off), axis=1, keepdims=True).astype(jnp.int32)
    slot_ref[:, 1:2] = jnp.sum(
        m1 * (s1 - m1 + off), axis=1, keepdims=True).astype(jnp.int32)

    eqd = (lax.broadcasted_iota(jnp.int32, (E, E), 0)
           == lax.broadcasted_iota(jnp.int32, (E, E), 1))
    off_col = jnp.sum(jnp.where(eqd, jnp.broadcast_to(off, (E, E)), 0.0),
                      axis=1, keepdims=True).astype(jnp.int32)
    pad_col = jnp.sum(jnp.where(eqd, jnp.broadcast_to(padded, (E, E)), 0.0),
                      axis=1, keepdims=True).astype(jnp.int32)
    start = lax.broadcasted_iota(jnp.int32, (E, NTILES), 1) * TILE
    cond = (start >= off_col) & (start < off_col + pad_col)
    erow = lax.broadcasted_iota(jnp.int32, (E, NTILES), 0)
    te = jnp.sum(jnp.where(cond, erow, 0), axis=0, keepdims=True)
    used = jnp.sum(cond.astype(jnp.int32), axis=0, keepdims=True)
    for shl in (1, 2, 4, 8, 16):
        if shl < NTILES:
            te = jnp.maximum(te, jnp.concatenate(
                [jnp.zeros((1, shl), jnp.int32), te[:, :-shl]], axis=1))
    te_ref[...] = te
    used_ref[...] = used


def _dispatch(slot0, slot1, x):
    @functools.partial(
        pl.kernel,
        out_type=jax.ShapeDtypeStruct((S_MAX, D_MODEL), jnp.float32),
        mesh=_sc_mesh(),
        scratch_types=[
            pltpu.VMEM((TPW,), jnp.int32),
            pltpu.VMEM((TPW,), jnp.int32),
            pltpu.VMEM((TPW, D_MODEL), jnp.float32),
            pltpu.SemaphoreType.DMA,
        ],
    )
    def k(slot0_hbm, slot1_hbm, x_hbm, xg_hbm, idx0_v, idx1_v, rows_v, sem):
        wid = lax.axis_index("s") * NC + lax.axis_index("c")
        pltpu.sync_copy(slot0_hbm.at[pl.ds(wid * TPW, TPW)], idx0_v)
        pltpu.sync_copy(slot1_hbm.at[pl.ds(wid * TPW, TPW)], idx1_v)
        pltpu.sync_copy(x_hbm.at[pl.ds(wid * TPW, TPW)], rows_v)
        cp0 = pltpu.async_copy(rows_v, xg_hbm.at[idx0_v], sem)
        cp1 = pltpu.async_copy(rows_v, xg_hbm.at[idx1_v], sem)
        cp0.wait()
        cp1.wait()

    return k(slot0, slot1, x)


def _expert_body(te_ref, used_ref, xg_ref, wg_ref, wu_ref, wd_ref, yg_ref):
    i = pl.program_id(0)

    @pl.when(used_ref[i] != 0)
    def _():
        x = xg_ref[...]
        hg = jnp.dot(x, wg_ref[0], preferred_element_type=jnp.float32)
        hu = jnp.dot(x, wu_ref[0], preferred_element_type=jnp.float32)
        h = hg / (1.0 + jnp.exp(-hg)) * hu
        yg_ref[...] = jnp.dot(h, wd_ref[0], preferred_element_type=jnp.float32)


def _gather_pair(slot0, slot1, yg):
    @functools.partial(
        pl.kernel,
        out_type=(
            jax.ShapeDtypeStruct((T, D_MODEL), jnp.float32),
            jax.ShapeDtypeStruct((T, D_MODEL), jnp.float32),
        ),
        mesh=_sc_mesh(),
        scratch_types=[
            pltpu.VMEM((TPW,), jnp.int32),
            pltpu.VMEM((TPW, D_MODEL), jnp.float32),
            pltpu.SemaphoreType.DMA,
        ],
    )
    def k(slot0_hbm, slot1_hbm, yg_hbm, ya_hbm, yb_hbm, idx_v, rows_v, sem):
        wid = lax.axis_index("s") * NC + lax.axis_index("c")
        rows = pl.ds(wid * TPW, TPW)
        pltpu.sync_copy(slot0_hbm.at[rows], idx_v)
        pltpu.async_copy(yg_hbm.at[idx_v], rows_v, sem).wait()
        pltpu.sync_copy(rows_v, ya_hbm.at[rows])
        pltpu.sync_copy(slot1_hbm.at[rows], idx_v)
        pltpu.async_copy(yg_hbm.at[idx_v], rows_v, sem).wait()
        pltpu.sync_copy(rows_v, yb_hbm.at[rows])

    return k(slot0, slot1, yg)


def _combine_body(ya_ref, yb_ref, w_ref, out_ref):
    w = w_ref[...]
    out_ref[...] = ya_ref[...] * w[:, 0:1] + yb_ref[...] * w[:, 1:2]


@jax.jit
def kernel(hidden_states, gate_w, w_gate, w_up, w_down):
    gw_pad = jnp.zeros((D_MODEL, E_PAD), jnp.float32).at[:, :E].set(gate_w)
    topk_ids, w_pair, slot, te, used = pl.pallas_call(
        _router_plan_body,
        out_shape=(
            jax.ShapeDtypeStruct((T, TOP_K), jnp.int32),
            jax.ShapeDtypeStruct((T, TOP_K), jnp.float32),
            jax.ShapeDtypeStruct((T, TOP_K), jnp.int32),
            jax.ShapeDtypeStruct((1, NTILES), jnp.int32),
            jax.ShapeDtypeStruct((1, NTILES), jnp.int32),
        ),
    )(hidden_states, gw_pad)

    slot0 = slot[:, 0:1].reshape(T)
    slot1 = slot[:, 1:2].reshape(T)
    xg = _dispatch(slot0, slot1, hidden_states)

    yg = pl.pallas_call(
        _expert_body,
        grid_spec=pltpu.PrefetchScalarGridSpec(
            num_scalar_prefetch=2,
            grid=(NTILES,),
            in_specs=[
                pl.BlockSpec((TILE, D_MODEL), lambda i, te, us: (i, 0)),
                pl.BlockSpec((1, D_MODEL, D_FF), lambda i, te, us: (te[i], 0, 0)),
                pl.BlockSpec((1, D_MODEL, D_FF), lambda i, te, us: (te[i], 0, 0)),
                pl.BlockSpec((1, D_FF, D_MODEL), lambda i, te, us: (te[i], 0, 0)),
            ],
            out_specs=pl.BlockSpec((TILE, D_MODEL), lambda i, te, us: (i, 0)),
        ),
        out_shape=jax.ShapeDtypeStruct((S_MAX, D_MODEL), jnp.float32),
    )(te.reshape(NTILES), used.reshape(NTILES), xg, w_gate, w_up, w_down)

    ya, yb = _gather_pair(slot0, slot1, yg)

    out = pl.pallas_call(
        _combine_body,
        grid=(T // 512,),
        in_specs=[
            pl.BlockSpec((512, D_MODEL), lambda t: (t, 0)),
            pl.BlockSpec((512, D_MODEL), lambda t: (t, 0)),
            pl.BlockSpec((512, TOP_K), lambda t: (t, 0)),
        ],
        out_specs=pl.BlockSpec((512, D_MODEL), lambda t: (t, 0)),
        out_shape=jax.ShapeDtypeStruct((T, D_MODEL), jnp.float32),
    )(ya, yb, w_pair)
    return (out, topk_ids)

# --- scband reference (transcript-rebuilt; emitter-appended) ---
"""Pipeline reference for scband-mi-mo-v2-flash-for-causal-lm-30133490548821 (READ-ONLY COPY).

The authoritative reference and input builder live on the scoring server;
editing this copy changes nothing except your own understanding.
"""

import jax, jax.numpy as jnp
import numpy as np

E = 8
TOP_K = 2
D_MODEL = 1024
D_FF = 1024
T = 2048


def setup_inputs(seed: int = 0) -> dict:
    key = jax.random.key(seed)
    k1, k2, k3, k4, k5 = jax.random.split(key, 5)
    hidden_states = jax.random.normal(k1, (T, D_MODEL), dtype=jnp.float32)
    gate_w = jax.random.normal(k2, (D_MODEL, E), dtype=jnp.float32) * (1.0 / np.sqrt(D_MODEL))
    w_gate = jax.random.normal(k3, (E, D_MODEL, D_FF), dtype=jnp.float32) * (1.0 / np.sqrt(D_MODEL))
    w_up = jax.random.normal(k4, (E, D_MODEL, D_FF), dtype=jnp.float32) * (1.0 / np.sqrt(D_MODEL))
    w_down = jax.random.normal(k5, (E, D_FF, D_MODEL), dtype=jnp.float32) * (1.0 / np.sqrt(D_FF))
    return {"hidden_states": hidden_states, "gate_w": gate_w, "w_gate": w_gate, "w_up": w_up, "w_down": w_down}


def reference(hidden_states, gate_w, w_gate, w_up, w_down):
    # MiMoV2Moe forward (greedy top-k routing, softmax scoring, norm_topk_prob=True)
    # GateLogit: router logits -> softmax scores
    router_logits = jnp.dot(hidden_states, gate_w)  # [T, E]
    scores = jax.nn.softmax(router_logits.astype(jnp.float32), axis=-1)
    # TopK with renormalization
    topk_weights, topk_ids = jax.lax.top_k(scores, TOP_K)  # [T, K]
    topk_weights = topk_weights / jnp.sum(topk_weights, axis=-1, keepdims=True)
    # Build combine matrix [T, E] with top-k weights at routed expert slots
    combine = jnp.sum(jax.nn.one_hot(topk_ids, E, dtype=hidden_states.dtype) * topk_weights[..., None], axis=1)  # [T, E]
    # EPMoE experts: per-expert SwiGLU MLP, weighted combine (math identical to dispatch)
    h_gate = jnp.einsum('td,edf->tef', hidden_states, w_gate)
    h_up = jnp.einsum('td,edf->tef', hidden_states, w_up)
    h = jax.nn.silu(h_gate) * h_up
    y_e = jnp.einsum('tef,efd->ted', h, w_down)
    mlp_output = jnp.einsum('ted,te->td', y_e, combine)
    return (mlp_output, topk_ids)

if __name__ == "__main__":
    import jax
    _d = setup_inputs()
    print(jax.jit(kernel)(*tuple(_d.values())))

</pallas_src>

<mosaic_0001>
#map = affine_map<(d0, d1) -> (0)>
#map1 = affine_map<(d0, d1) -> (0, 0)>
module attributes {stable_mosaic.version = 14 : i64} {
  func.func @k(%arg0: i32, %arg1: i32, %arg2: memref<2048xi32, #tpu.memory_space<hbm>>, %arg3: memref<2048xi32, #tpu.memory_space<hbm>>, %arg4: memref<2048x1024xf32, #tpu.memory_space<hbm>>, %arg5: memref<6144x1024xf32, #tpu.memory_space<hbm>>, %arg6: memref<64xi32, #tpu.memory_space<vmem>>, %arg7: memref<64xi32, #tpu.memory_space<vmem>>, %arg8: memref<64x1024xf32, #tpu.memory_space<vmem>>, %arg9: memref<!tpu.dma_semaphore, #tpu.memory_space<semaphore_mem>>) attributes {dimension_semantics = [#tpu.dimension_semantics<core_parallel>, #tpu.dimension_semantics<subcore_parallel>], iteration_bounds = array<i64: 2, 16>, scalar_prefetch = 0 : i64, scratch_operands = 4 : i64, tpu.core_type = #tpu.core_type<sc_vector_subcore>, window_params = [{transform_indices = #map}, {transform_indices = #map}, {transform_indices = #map1}, {transform_indices = #map1}]} {
    %mul3A = arith.constant 2 : i32
    %mul3A_0 = arith.muli %arg1, %mul3A : i32
    %add3A = arith.addi %mul3A_0, %arg0 : i32
    %mul3A_1 = arith.constant 64 : i32
    %mul3A_2 = arith.muli %add3A, %mul3A_1 : i32
    "tpu.region"() ({
      %run_scoped3A = tpu.sem_alloc : memref<!tpu.dma_semaphore, #tpu.memory_space<semaphore_mem>>
      %dma_start3A_17 = tpu.memref_slice %arg2[%mul3A_2] : memref<2048xi32, #tpu.memory_space<hbm>> -> memref<64xi32, #tpu.memory_space<hbm>>
      %dma_start3A_18 = tpu.memref_slice %arg2[%mul3A_2] : memref<2048xi32, #tpu.memory_space<hbm>> -> memref<64xi32, #tpu.memory_space<hbm>>
      tpu.enqueue_dma source(%dma_start3A_18 : memref<64xi32, #tpu.memory_space<hbm>>) target(%arg6 : memref<64xi32, #tpu.memory_space<vmem>>) target_semaphore(%run_scoped3A : memref<!tpu.dma_semaphore, #tpu.memory_space<semaphore_mem>>)
      %dma_wait3A_19 = tpu.memref_slice %arg2[%mul3A_2] : memref<2048xi32, #tpu.memory_space<hbm>> -> memref<64xi32, #tpu.memory_space<hbm>>
      %dma_wait3A_20 = tpu.memref_slice %arg2[%mul3A_2] : memref<2048xi32, #tpu.memory_space<hbm>> -> memref<64xi32, #tpu.memory_space<hbm>>
      tpu.wait_dma2 semaphore(%run_scoped3A : memref<!tpu.dma_semaphore, #tpu.memory_space<semaphore_mem>>) src(%dma_wait3A_20 : memref<64xi32, #tpu.memory_space<hbm>>) dst(%arg6 : memref<64xi32, #tpu.memory_space<vmem>>)
      tpu.yield
    }) : () -> ()
    %mul3A_3 = arith.constant 64 : i32
    %mul3A_4 = arith.muli %add3A, %mul3A_3 : i32
    "tpu.region"() ({
      %run_scoped3A = tpu.sem_alloc : memref<!tpu.dma_semaphore, #tpu.memory_space<semaphore_mem>>
      %dma_start3A_17 = tpu.memref_slice %arg3[%mul3A_4] : memref<2048xi32, #tpu.memory_space<hbm>> -> memref<64xi32, #tpu.memory_space<hbm>>
      %dma_start3A_18 = tpu.memref_slice %arg3[%mul3A_4] : memref<2048xi32, #tpu.memory_space<hbm>> -> memref<64xi32, #tpu.memory_space<hbm>>
      tpu.enqueue_dma source(%dma_start3A_18 : memref<64xi32, #tpu.memory_space<hbm>>) target(%arg7 : memref<64xi32, #tpu.memory_space<vmem>>) target_semaphore(%run_scoped3A : memref<!tpu.dma_semaphore, #tpu.memory_space<semaphore_mem>>)
      %dma_wait3A_19 = tpu.memref_slice %arg3[%mul3A_4] : memref<2048xi32, #tpu.memory_space<hbm>> -> memref<64xi32, #tpu.memory_space<hbm>>
      %dma_wait3A_20 = tpu.memref_slice %arg3[%mul3A_4] : memref<2048xi32, #tpu.memory_space<hbm>> -> memref<64xi32, #tpu.memory_space<hbm>>
      tpu.wait_dma2 semaphore(%run_scoped3A : memref<!tpu.dma_semaphore, #tpu.memory_space<semaphore_mem>>) src(%dma_wait3A_20 : memref<64xi32, #tpu.memory_space<hbm>>) dst(%arg7 : memref<64xi32, #tpu.memory_space<vmem>>)
      tpu.yield
    }) : () -> ()
    %mul3A_5 = arith.constant 64 : i32
    %mul3A_6 = arith.muli %add3A, %mul3A_5 : i32
    "tpu.region"() ({
      %run_scoped3A = tpu.sem_alloc : memref<!tpu.dma_semaphore, #tpu.memory_space<semaphore_mem>>
      %dma_start3A_17 = arith.constant 0 : i32
      %dma_start3A_18 = tpu.memref_slice %arg4[%mul3A_6, %dma_start3A_17] : memref<2048x1024xf32, #tpu.memory_space<hbm>> -> memref<64x1024xf32, #tpu.memory_space<hbm>>
      %dma_start3A_19 = arith.constant 0 : i32
      %dma_start3A_20 = tpu.memref_slice %arg4[%mul3A_6, %dma_start3A_19] : memref<2048x1024xf32, #tpu.memory_space<hbm>> -> memref<64x1024xf32, #tpu.memory_space<hbm>>
      tpu.enqueue_dma source(%dma_start3A_20 : memref<64x1024xf32, #tpu.memory_space<hbm>>) target(%arg8 : memref<64x1024xf32, #tpu.memory_space<vmem>>) target_semaphore(%run_scoped3A : memref<!tpu.dma_semaphore, #tpu.memory_space<semaphore_mem>>)
      %dma_wait3A_21 = arith.constant 0 : i32
      %dma_wait3A_22 = tpu.memref_slice %arg4[%mul3A_6, %dma_wait3A_21] : memref<2048x1024xf32, #tpu.memory_space<hbm>> -> memref<64x1024xf32, #tpu.memory_space<hbm>>
      %dma_wait3A_23 = arith.constant 0 : i32
      %dma_wait3A_24 = tpu.memref_slice %arg4[%mul3A_6, %dma_wait3A_23] : memref<2048x1024xf32, #tpu.memory_space<hbm>> -> memref<64x1024xf32, #tpu.memory_space<hbm>>
      tpu.wait_dma2 semaphore(%run_scoped3A : memref<!tpu.dma_semaphore, #tpu.memory_space<semaphore_mem>>) src(%dma_wait3A_24 : memref<64x1024xf32, #tpu.memory_space<hbm>>) dst(%arg8 : memref<64x1024xf32, #tpu.memory_space<vmem>>)
      tpu.yield
    }) : () -> ()
    %dma_start3A = arith.constant 0 : i32
    %dma_start3A_7 = arith.constant 0 : i32
    %dma_start3A_8 = tpu.memref_slice %arg5[%dma_start3A, %dma_start3A_7] : memref<6144x1024xf32, #tpu.memory_space<hbm>> -> memref<6144x1024xf32, #tpu.memory_space<hbm>>
    tpu.enqueue_indirect_dma source(%arg8 : memref<64x1024xf32, #tpu.memory_space<vmem>>) target(%dma_start3A_8 : memref<6144x1024xf32, #tpu.memory_space<hbm>>) offsets(%arg6 : memref<64xi32, #tpu.memory_space<vmem>>) semaphore(%arg9 : memref<!tpu.dma_semaphore, #tpu.memory_space<semaphore_mem>>)
    %dma_start3A_9 = arith.constant 0 : i32
    %dma_start3A_10 = arith.constant 0 : i32
    %dma_start3A_11 = tpu.memref_slice %arg5[%dma_start3A_9, %dma_start3A_10] : memref<6144x1024xf32, #tpu.memory_space<hbm>> -> memref<6144x1024xf32, #tpu.memory_space<hbm>>
    tpu.enqueue_indirect_dma source(%arg8 : memref<64x1024xf32, #tpu.memory_space<vmem>>) target(%dma_start3A_11 : memref<6144x1024xf32, #tpu.memory_space<hbm>>) offsets(%arg7 : memref<64xi32, #tpu.memory_space<vmem>>) semaphore(%arg9 : memref<!tpu.dma_semaphore, #tpu.memory_space<semaphore_mem>>)
    %dma_wait3A = arith.constant 0 : i32
    %dma_wait3A_12 = arith.constant 0 : i32
    %dma_wait3A_13 = tpu.memref_slice %arg5[%dma_wait3A, %dma_wait3A_12] : memref<6144x1024xf32, #tpu.memory_space<hbm>> -> memref<6144x1024xf32, #tpu.memory_space<hbm>>
    tpu.wait_indirect_dma semaphore(%arg9 : memref<!tpu.dma_semaphore, #tpu.memory_space<semaphore_mem>>) src(%arg8 : memref<64x1024xf32, #tpu.memory_space<vmem>>) dst(%dma_wait3A_13 : memref<6144x1024xf32, #tpu.memory_space<hbm>>)
    %dma_wait3A_14 = arith.constant 0 : i32
    %dma_wait3A_15 = arith.constant 0 : i32
    %dma_wait3A_16 = tpu.memref_slice %arg5[%dma_wait3A_14, %dma_wait3A_15] : memref<6144x1024xf32, #tpu.memory_space<hbm>> -> memref<6144x1024xf32, #tpu.memory_space<hbm>>
    tpu.wait_indirect_dma semaphore(%arg9 : memref<!tpu.dma_semaphore, #tpu.memory_space<semaphore_mem>>) src(%arg8 : memref<64x1024xf32, #tpu.memory_space<vmem>>) dst(%dma_wait3A_16 : memref<6144x1024xf32, #tpu.memory_space<hbm>>)
    return
  }
}

#map = affine_map<(d0, d1) -> (0)>
#map1 = affine_map<(d0, d1) -> (0, 0)>
module attributes {stable_mosaic.version = 14 : i64} {
  func.func @k(%arg0: i32, %arg1: i32, %arg2: memref<2048xi32, #tpu.memory_space<hbm>>, %arg3: memref<2048xi32, #tpu.memory_space<hbm>>, %arg4: memref<6144x1024xf32, #tpu.memory_space<hbm>>, %arg5: memref<2048x1024xf32, #tpu.memory_space<hbm>>, %arg6: memref<2048x1024xf32, #tpu.memory_space<hbm>>, %arg7: memref<64xi32, #tpu.memory_space<vmem>>, %arg8: memref<64x1024xf32, #tpu.memory_space<vmem>>, %arg9: memref<!tpu.dma_semaphore, #tpu.memory_space<semaphore_mem>>) attributes {dimension_semantics = [#tpu.dimension_semantics<core_parallel>, #tpu.dimension_semantics<subcore_parallel>], iteration_bounds = array<i64: 2, 16>, scalar_prefetch = 0 : i64, scratch_operands = 3 : i64, tpu.core_type = #tpu.core_type<sc_vector_subcore>, window_params = [{transform_indices = #map}, {transform_indices = #map}, {transform_indices = #map1}, {transform_indices = #map1}, {transform_indices = #map1}]} {
    %mul3A = arith.constant 2 : i32
    %mul3A_0 = arith.muli %arg1, %mul3A : i32
    %add3A = arith.addi %mul3A_0, %arg0 : i32
    %mul3A_1 = arith.constant 64 : i32
    %mul3A_2 = arith.muli %add3A, %mul3A_1 : i32
    "tpu.region"() ({
      %run_scoped3A = tpu.sem_alloc : memref<!tpu.dma_semaphore, #tpu.memory_space<semaphore_mem>>
      %dma_start3A_13 = tpu.memref_slice %arg2[%mul3A_2] : memref<2048xi32, #tpu.memory_space<hbm>> -> memref<64xi32, #tpu.memory_space<hbm>>
      %dma_start3A_14 = tpu.memref_slice %arg2[%mul3A_2] : memref<2048xi32, #tpu.memory_space<hbm>> -> memref<64xi32, #tpu.memory_space<hbm>>
      tpu.enqueue_dma source(%dma_start3A_14 : memref<64xi32, #tpu.memory_space<hbm>>) target(%arg7 : memref<64xi32, #tpu.memory_space<vmem>>) target_semaphore(%run_scoped3A : memref<!tpu.dma_semaphore, #tpu.memory_space<semaphore_mem>>)
      %dma_wait3A_15 = tpu.memref_slice %arg2[%mul3A_2] : memref<2048xi32, #tpu.memory_space<hbm>> -> memref<64xi32, #tpu.memory_space<hbm>>
      %dma_wait3A_16 = tpu.memref_slice %arg2[%mul3A_2] : memref<2048xi32, #tpu.memory_space<hbm>> -> memref<64xi32, #tpu.memory_space<hbm>>
      tpu.wait_dma2 semaphore(%run_scoped3A : memref<!tpu.dma_semaphore, #tpu.memory_space<semaphore_mem>>) src(%dma_wait3A_16 : memref<64xi32, #tpu.memory_space<hbm>>) dst(%arg7 : memref<64xi32, #tpu.memory_space<vmem>>)
      tpu.yield
    }) : () -> ()
    %dma_start3A = arith.constant 0 : i32
    %dma_start3A_3 = arith.constant 0 : i32
    %dma_start3A_4 = tpu.memref_slice %arg4[%dma_start3A, %dma_start3A_3] : memref<6144x1024xf32, #tpu.memory_space<hbm>> -> memref<6144x1024xf32, #tpu.memory_space<hbm>>
    tpu.enqueue_indirect_dma source(%dma_start3A_4 : memref<6144x1024xf32, #tpu.memory_space<hbm>>) target(%arg8 : memref<64x1024xf32, #tpu.memory_space<vmem>>) offsets(%arg7 : memref<64xi32, #tpu.memory_space<vmem>>) semaphore(%arg9 : memref<!tpu.dma_semaphore, #tpu.memory_space<semaphore_mem>>)
    %dma_wait3A = arith.constant 0 : i32
    %dma_wait3A_5 = arith.constant 0 : i32
    %dma_wait3A_6 = tpu.memref_slice %arg4[%dma_wait3A, %dma_wait3A_5] : memref<6144x1024xf32, #tpu.memory_space<hbm>> -> memref<6144x1024xf32, #tpu.memory_space<hbm>>
    tpu.wait_indirect_dma semaphore(%arg9 : memref<!tpu.dma_semaphore, #tpu.memory_space<semaphore_mem>>) src(%dma_wait3A_6 : memref<6144x1024xf32, #tpu.memory_space<hbm>>) dst(%arg8 : memref<64x1024xf32, #tpu.memory_space<vmem>>)
    "tpu.region"() ({
      %run_scoped3A = tpu.sem_alloc : memref<!tpu.dma_semaphore, #tpu.memory_space<semaphore_mem>>
      %dma_start3A_13 = arith.constant 0 : i32
      %dma_start3A_14 = tpu.memref_slice %arg5[%mul3A_2, %dma_start3A_13] : memref<2048x1024xf32, #tpu.memory_space<hbm>> -> memref<64x1024xf32, #tpu.memory_space<hbm>>
      %dma_start3A_15 = arith.constant 0 : i32
      %dma_start3A_16 = tpu.memref_slice %arg5[%mul3A_2, %dma_start3A_15] : memref<2048x1024xf32, #tpu.memory_space<hbm>> -> memref<64x1024xf32, #tpu.memory_space<hbm>>
      tpu.enqueue_dma source(%arg8 : memref<64x1024xf32, #tpu.memory_space<vmem>>) target(%dma_start3A_16 : memref<64x1024xf32, #tpu.memory_space<hbm>>) target_semaphore(%run_scoped3A : memref<!tpu.dma_semaphore, #tpu.memory_space<semaphore_mem>>)
      %dma_wait3A_17 = arith.constant 0 : i32
      %dma_wait3A_18 = tpu.memref_slice %arg5[%mul3A_2, %dma_wait3A_17] : memref<2048x1024xf32, #tpu.memory_space<hbm>> -> memref<64x1024xf32, #tpu.memory_space<hbm>>
      %dma_wait3A_19 = arith.constant 0 : i32
      %dma_wait3A_20 = tpu.memref_slice %arg5[%mul3A_2, %dma_wait3A_19] : memref<2048x1024xf32, #tpu.memory_space<hbm>> -> memref<64x1024xf32, #tpu.memory_space<hbm>>
      tpu.wait_dma2 semaphore(%run_scoped3A : memref<!tpu.dma_semaphore, #tpu.memory_space<semaphore_mem>>) src(%arg8 : memref<64x1024xf32, #tpu.memory_space<vmem>>) dst(%dma_wait3A_20 : memref<64x1024xf32, #tpu.memory_space<hbm>>)
      tpu.yield
    }) : () -> ()
    "tpu.region"() ({
      %run_scoped3A = tpu.sem_alloc : memref<!tpu.dma_semaphore, #tpu.memory_space<semaphore_mem>>
      %dma_start3A_13 = tpu.memref_slice %arg3[%mul3A_2] : memref<2048xi32, #tpu.memory_space<hbm>> -> memref<64xi32, #tpu.memory_space<hbm>>
      %dma_start3A_14 = tpu.memref_slice %arg3[%mul3A_2] : memref<2048xi32, #tpu.memory_space<hbm>> -> memref<64xi32, #tpu.memory_space<hbm>>
      tpu.enqueue_dma source(%dma_start3A_14 : memref<64xi32, #tpu.memory_space<hbm>>) target(%arg7 : memref<64xi32, #tpu.memory_space<vmem>>) target_semaphore(%run_scoped3A : memref<!tpu.dma_semaphore, #tpu.memory_space<semaphore_mem>>)
      %dma_wait3A_15 = tpu.memref_slice %arg3[%mul3A_2] : memref<2048xi32, #tpu.memory_space<hbm>> -> memref<64xi32, #tpu.memory_space<hbm>>
      %dma_wait3A_16 = tpu.memref_slice %arg3[%mul3A_2] : memref<2048xi32, #tpu.memory_space<hbm>> -> memref<64xi32, #tpu.memory_space<hbm>>
      tpu.wait_dma2 semaphore(%run_scoped3A : memref<!tpu.dma_semaphore, #tpu.memory_space<semaphore_mem>>) src(%dma_wait3A_16 : memref<64xi32, #tpu.memory_space<hbm>>) dst(%arg7 : memref<64xi32, #tpu.memory_space<vmem>>)
      tpu.yield
    }) : () -> ()
    %dma_start3A_7 = arith.constant 0 : i32
    %dma_start3A_8 = arith.constant 0 : i32
    %dma_start3A_9 = tpu.memref_slice %arg4[%dma_start3A_7, %dma_start3A_8] : memref<6144x1024xf32, #tpu.memory_space<hbm>> -> memref<6144x1024xf32, #tpu.memory_space<hbm>>
    tpu.enqueue_indirect_dma source(%dma_start3A_9 : memref<6144x1024xf32, #tpu.memory_space<hbm>>) target(%arg8 : memref<64x1024xf32, #tpu.memory_space<vmem>>) offsets(%arg7 : memref<64xi32, #tpu.memory_space<vmem>>) semaphore(%arg9 : memref<!tpu.dma_semaphore, #tpu.memory_space<semaphore_mem>>)
    %dma_wait3A_10 = arith.constant 0 : i32
    %dma_wait3A_11 = arith.constant 0 : i32
    %dma_wait3A_12 = tpu.memref_slice %arg4[%dma_wait3A_10, %dma_wait3A_11] : memref<6144x1024xf32, #tpu.memory_space<hbm>> -> memref<6144x1024xf32, #tpu.memory_space<hbm>>
    tpu.wait_indirect_dma semaphore(%arg9 : memref<!tpu.dma_semaphore, #tpu.memory_space<semaphore_mem>>) src(%dma_wait3A_12 : memref<6144x1024xf32, #tpu.memory_space<hbm>>) dst(%arg8 : memref<64x1024xf32, #tpu.memory_space<vmem>>)
    "tpu.region"() ({
      %run_scoped3A = tpu.sem_alloc : memref<!tpu.dma_semaphore, #tpu.memory_space<semaphore_mem>>
      %dma_start3A_13 = arith.constant 0 : i32
      %dma_start3A_14 = tpu.memref_slice %arg6[%mul3A_2, %dma_start3A_13] : memref<2048x1024xf32, #tpu.memory_space<hbm>> -> memref<64x1024xf32, #tpu.memory_space<hbm>>
      %dma_start3A_15 = arith.constant 0 : i32
      %dma_start3A_16 = tpu.memref_slice %arg6[%mul3A_2, %dma_start3A_15] : memref<2048x1024xf32, #tpu.memory_space<hbm>> -> memref<64x1024xf32, #tpu.memory_space<hbm>>
      tpu.enqueue_dma source(%arg8 : memref<64x1024xf32, #tpu.memory_space<vmem>>) target(%dma_start3A_16 : memref<64x1024xf32, #tpu.memory_space<hbm>>) target_semaphore(%run_scoped3A : memref<!tpu.dma_semaphore, #tpu.memory_space<semaphore_mem>>)
      %dma_wait3A_17 = arith.constant 0 : i32
      %dma_wait3A_18 = tpu.memref_slice %arg6[%mul3A_2, %dma_wait3A_17] : memref<2048x1024xf32, #tpu.memory_space<hbm>> -> memref<64x1024xf32, #tpu.memory_space<hbm>>
      %dma_wait3A_19 = arith.constant 0 : i32
      %dma_wait3A_20 = tpu.memref_slice %arg6[%mul3A_2, %dma_wait3A_19] : memref<2048x1024xf32, #tpu.memory_space<hbm>> -> memref<64x1024xf32, #tpu.memory_space<hbm>>
      tpu.wait_dma2 semaphore(%run_scoped3A : memref<!tpu.dma_semaphore, #tpu.memory_space<semaphore_mem>>) src(%arg8 : memref<64x1024xf32, #tpu.memory_space<vmem>>) dst(%dma_wait3A_20 : memref<64x1024xf32, #tpu.memory_space<hbm>>)
      tpu.yield
    }) : () -> ()
    return
  }
}

module attributes {stable_mosaic.version = 14 : i64} {
  func.func @_router_plan_body(%arg0: memref<2048x1024xf32, #tpu.memory_space<vmem>>, %arg1: memref<1024x128xf32, #tpu.memory_space<vmem>>, %arg2: memref<2048x2xi32, #tpu.memory_space<vmem>>, %arg3: memref<2048x2xf32, #tpu.memory_space<vmem>>, %arg4: memref<2048x2xi32, #tpu.memory_space<vmem>>, %arg5: memref<1x24xi32, #tpu.memory_space<vmem>>, %arg6: memref<1x24xi32, #tpu.memory_space<vmem>>) attributes {dimension_semantics = [], scalar_prefetch = 0 : i64, scratch_operands = 0 : i64, tpu.core_type = #tpu.core_type<tc>} {
    %get3A = arith.constant 0 : index
    %get3A_0 = arith.constant 0 : index
    %get3A_1 = vector.load %arg0[%get3A, %get3A_0] : memref<2048x1024xf32, #tpu.memory_space<vmem>>, vector<2048x1024xf32>
    %get3A_2 = arith.constant 0 : index
    %get3A_3 = arith.constant 0 : index
    %get3A_4 = vector.load %arg1[%get3A_2, %get3A_3] : memref<1024x128xf32, #tpu.memory_space<vmem>>, vector<1024x128xf32>
    %dot_general3A = arith.constant dense<0.000000e+00> : vector<2048x128xf32>
    %dot_general3A_5 = tpu.matmul %get3A_1, %get3A_4, %dot_general3A {dimension_numbers = #tpu.dot_dimension_numbers<[1], [0], [0], [1], [0, 0, 1, 1], [], []>, transpose_lhs_hint = false} : vector<2048x1024xf32>, vector<1024x128xf32>, vector<2048x128xf32> -> vector<2048x128xf32>
    %iota3A = tpu.iota {dimensions = array<i32: 1>} : vector<2048x128xi32>
    %lt3A = arith.constant 8 : i32
    %lt3A_6 = vector.broadcast %lt3A : i32 to vector<2048x128xi32>
    %lt3A_7 = arith.cmpi slt, %iota3A, %lt3A_6 : vector<2048x128xi32>
    %jit3A = arith.constant -1.000000e+30 : f32
    %broadcast_in_dim3A = vector.broadcast %jit3A : f32 to vector<2048x128xf32>
    %select_n3A = arith.select %lt3A_7, %dot_general3A_5, %broadcast_in_dim3A : vector<2048x128xi1>, vector<2048x128xf32>
    %reduce_max3A = arith.constant dense<0xFF800000> : vector<2048xf32>
    %reduce_max3A_8 = vector.multi_reduction <maximumf>, %select_n3A, %reduce_max3A [1] : vector<2048x128xf32> to vector<2048xf32>
    %broadcast_in_dim3A_9 = vector.shape_cast %reduce_max3A_8 : vector<2048xf32> to vector<2048x1xf32>
    %eq3A = vector.broadcast %broadcast_in_dim3A_9 : vector<2048x1xf32> to vector<2048x128xf32>
    %eq3A_10 = arith.cmpf oeq, %select_n3A, %eq3A : vector<2048x128xf32>
    %jit3A_11 = arith.constant 128 : i32
    %broadcast_in_dim3A_12 = vector.broadcast %jit3A_11 : i32 to vector<2048x128xi32>
    %select_n3A_13 = arith.select %eq3A_10, %iota3A, %broadcast_in_dim3A_12 : vector<2048x128xi1>, vector<2048x128xi32>
    %reduce_min3A = arith.constant dense<2147483647> : vector<2048xi32>
    %reduce_min3A_14 = vector.multi_reduction <minsi>, %select_n3A_13, %reduce_min3A [1] : vector<2048x128xi32> to vector<2048xi32>
    %broadcast_in_dim3A_15 = vector.shape_cast %reduce_min3A_14 : vector<2048xi32> to vector<2048x1xi32>
    %eq3A_16 = vector.broadcast %broadcast_in_dim3A_15 : vector<2048x1xi32> to vector<2048x128xi32>
    %eq3A_17 = arith.cmpi eq, %iota3A, %eq3A_16 : vector<2048x128xi32>
    %jit3A_18 = arith.constant -1.000000e+30 : f32
    %broadcast_in_dim3A_19 = vector.broadcast %jit3A_18 : f32 to vector<2048x128xf32>
    %select_n3A_20 = arith.select %eq3A_17, %broadcast_in_dim3A_19, %select_n3A : vector<2048x128xi1>, vector<2048x128xf32>
    %reduce_max3A_21 = arith.constant dense<0xFF800000> : vector<2048xf32>
    %reduce_max3A_22 = vector.multi_reduction <maximumf>, %select_n3A_20, %reduce_max3A_21 [1] : vector<2048x128xf32> to vector<2048xf32>
    %broadcast_in_dim3A_23 = vector.shape_cast %reduce_max3A_22 : vector<2048xf32> to vector<2048x1xf32>
    %eq3A_24 = vector.broadcast %broadcast_in_dim3A_23 : vector<2048x1xf32> to vector<2048x128xf32>
    %eq3A_25 = arith.cmpf oeq, %select_n3A_20, %eq3A_24 : vector<2048x128xf32>
    %jit3A_26 = arith.constant 128 : i32
    %broadcast_in_dim3A_27 = vector.broadcast %jit3A_26 : i32 to vector<2048x128xi32>
    %select_n3A_28 = arith.select %eq3A_25, %iota3A, %broadcast_in_dim3A_27 : vector<2048x128xi1>, vector<2048x128xi32>
    %reduce_min3A_29 = arith.constant dense<2147483647> : vector<2048xi32>
    %reduce_min3A_30 = vector.multi_reduction <minsi>, %select_n3A_28, %reduce_min3A_29 [1] : vector<2048x128xi32> to vector<2048xi32>
    %broadcast_in_dim3A_31 = vector.shape_cast %reduce_min3A_30 : vector<2048xi32> to vector<2048x1xi32>
    %sub3A = arith.subf %broadcast_in_dim3A_23, %broadcast_in_dim3A_9 : vector<2048x1xf32>
    %exp3A = math.exp %sub3A : vector<2048x1xf32>
    %add3A = arith.constant 1.000000e+00 : f32
    %add3A_32 = vector.broadcast %add3A : f32 to vector<2048x1xf32>
    %add3A_33 = arith.addf %add3A_32, %exp3A : vector<2048x1xf32>
    %div3A = arith.constant 1.000000e+00 : f32
    %div3A_34 = vector.broadcast %div3A : f32 to vector<2048x1xf32>
    %div3A_35 = arith.divf %div3A_34, %add3A_33 : vector<2048x1xf32>
    %swap3A = arith.constant 0 : index
    %swap3A_36 = arith.constant 0 : index
    %swap3A_37 = vector.load %arg2[%swap3A, %swap3A_36] : memref<2048x2xi32, #tpu.memory_space<vmem>>, vector<2048x1xi32>
    tpu.vector_store %arg2[%swap3A, %swap3A_36], %broadcast_in_dim3A_15 {strides = array<i32>} : memref<2048x2xi32, #tpu.memory_space<vmem>>, vector<2048x1xi32>,
    %swap3A_38 = arith.constant 0 : index
    %swap3A_39 = arith.constant 1 : index
    %swap3A_40 = vector.load %arg2[%swap3A_38, %swap3A_39] : memref<2048x2xi32, #tpu.memory_space<vmem>>, vector<2048x1xi32>
    tpu.vector_store %arg2[%swap3A_38, %swap3A_39], %broadcast_in_dim3A_31 {strides = array<i32>} : memref<2048x2xi32, #tpu.memory_space<vmem>>, vector<2048x1xi32>,
    %swap3A_41 = arith.constant 0 : index
    %swap3A_42 = arith.constant 0 : index
    %swap3A_43 = vector.load %arg3[%swap3A_41, %swap3A_42] : memref<2048x2xf32, #tpu.memory_space<vmem>>, vector<2048x1xf32>
    tpu.vector_store %arg3[%swap3A_41, %swap3A_42], %div3A_35 {strides = array<i32>} : memref<2048x2xf32, #tpu.memory_space<vmem>>, vector<2048x1xf32>,
    %sub3A_44 = arith.constant 1.000000e+00 : f32
    %sub3A_45 = vector.broadcast %sub3A_44 : f32 to vector<2048x1xf32>
    %sub3A_46 = arith.subf %sub3A_45, %div3A_35 : vector<2048x1xf32>
    %swap3A_47 = arith.constant 0 : index
    %swap3A_48 = arith.constant 1 : index
    %swap3A_49 = vector.load %arg3[%swap3A_47, %swap3A_48] : memref<2048x2xf32, #tpu.memory_space<vmem>>, vector<2048x1xf32>
    tpu.vector_store %arg3[%swap3A_47, %swap3A_48], %sub3A_46 {strides = array<i32>} : memref<2048x2xf32, #tpu.memory_space<vmem>>, vector<2048x1xf32>,
    %iota3A_50 = tpu.iota {dimensions = array<i32: 1>} : vector<2048x8xi32>
    %eq3A_51 = vector.broadcast %broadcast_in_dim3A_15 : vector<2048x1xi32> to vector<2048x8xi32>
    %eq3A_52 = arith.cmpi eq, %iota3A_50, %eq3A_51 : vector<2048x8xi32>
    %convert_element_type3A = arith.extui %eq3A_52 : vector<2048x8xi1> to vector<2048x8xi32>
    %convert_element_type3A_53 = arith.sitofp %convert_element_type3A : vector<2048x8xi32> to vector<2048x8xf32>
    %eq3A_54 = vector.broadcast %broadcast_in_dim3A_31 : vector<2048x1xi32> to vector<2048x8xi32>
    %eq3A_55 = arith.cmpi eq, %iota3A_50, %eq3A_54 : vector<2048x8xi32>
    %convert_element_type3A_56 = arith.extui %eq3A_55 : vector<2048x8xi1> to vector<2048x8xi32>
    %convert_element_type3A_57 = arith.sitofp %convert_element_type3A_56 : vector<2048x8xi32> to vector<2048x8xf32>
    %concatenate3A = tpu.concatenate %convert_element_type3A_53, %convert_element_type3A_57 in 1 : vector<2048x8xf32>, vector<2048x8xf32> -> vector<2048x16xf32>
    %iota3A_58 = tpu.iota {dimensions = array<i32: 0>} : vector<128x128xi32>
    %iota3A_59 = tpu.iota {dimensions = array<i32: 1>} : vector<128x128xi32>
    %ge3A = arith.cmpi sge, %iota3A_58, %iota3A_59 : vector<128x128xi32>
    %convert_element_type3A_60 = arith.extui %ge3A : vector<128x128xi1> to vector<128x128xi32>
    %convert_element_type3A_61 = arith.sitofp %convert_element_type3A_60 : vector<128x128xi32> to vector<128x128xf32>
    %broadcast_in_dim3A_62 = arith.constant 0.000000e+00 : f32
    %broadcast_in_dim3A_63 = vector.broadcast %broadcast_in_dim3A_62 : f32 to vector<1x16xf32>
    %slice3A = vector.extract_strided_slice %concatenate3A {offsets = [0, 0], sizes = [128, 16], strides = [1, 1]} : vector<2048x16xf32> to vector<128x16xf32>
    %dot_general3A_64 = arith.constant dense<0.000000e+00> : vector<128x16xf32>
    %dot_general3A_65 = tpu.matmul %convert_element_type3A_61, %slice3A, %dot_general3A_64 {dimension_numbers = #tpu.dot_dimension_numbers<[1], [0], [0], [1], [0, 0, 1, 1], [], []>, transpose_lhs_hint = false} : vector<128x128xf32>, vector<128x16xf32>, vector<128x16xf32> -> vector<128x16xf32>
    %add3A_66 = vector.broadcast %broadcast_in_dim3A_63 : vector<1x16xf32> to vector<128x16xf32>
    %add3A_67 = arith.addf %dot_general3A_65, %add3A_66 : vector<128x16xf32>
    %slice3A_68 = vector.extract_strided_slice %add3A_67 {offsets = [127, 0], sizes = [1, 16], strides = [1, 1]} : vector<128x16xf32> to vector<1x16xf32>
    %slice3A_69 = vector.extract_strided_slice %concatenate3A {offsets = [128, 0], sizes = [128, 16], strides = [1, 1]} : vector<2048x16xf32> to vector<128x16xf32>
    %dot_general3A_70 = arith.constant dense<0.000000e+00> : vector<128x16xf32>
    %dot_general3A_71 = tpu.matmul %convert_element_type3A_61, %slice3A_69, %dot_general3A_70 {dimension_numbers = #tpu.dot_dimension_numbers<[1], [0], [0], [1], [0, 0, 1, 1], [], []>, transpose_lhs_hint = false} : vector<128x128xf32>, vector<128x16xf32>, vector<128x16xf32> -> vector<128x16xf32>
    %add3A_72 = vector.broadcast %slice3A_68 : vector<1x16xf32> to vector<128x16xf32>
    %add3A_73 = arith.addf %dot_general3A_71, %add3A_72 : vector<128x16xf32>
    %slice3A_74 = vector.extract_strided_slice %add3A_73 {offsets = [127, 0], sizes = [1, 16], strides = [1, 1]} : vector<128x16xf32> to vector<1x16xf32>
    %slice3A_75 = vector.extract_strided_slice %concatenate3A {offsets = [256, 0], sizes = [128, 16], strides = [1, 1]} : vector<2048x16xf32> to vector<128x16xf32>
    %dot_general3A_76 = arith.constant dense<0.000000e+00> : vector<128x16xf32>
    %dot_general3A_77 = tpu.matmul %convert_element_type3A_61, %slice3A_75, %dot_general3A_76 {dimension_numbers = #tpu.dot_dimension_numbers<[1], [0], [0], [1], [0, 0, 1, 1], [], []>, transpose_lhs_hint = false} : vector<128x128xf32>, vector<128x16xf32>, vector<128x16xf32> -> vector<128x16xf32>
    %add3A_78 = vector.broadcast %slice3A_74 : vector<1x16xf32> to vector<128x16xf32>
    %add3A_79 = arith.addf %dot_general3A_77, %add3A_78 : vector<128x16xf32>
    %slice3A_80 = vector.extract_strided_slice %add3A_79 {offsets = [127, 0], sizes = [1, 16], strides = [1, 1]} : vector<128x16xf32> to vector<1x16xf32>
    %slice3A_81 = vector.extract_strided_slice %concatenate3A {offsets = [384, 0], sizes = [128, 16], strides = [1, 1]} : vector<2048x16xf32> to vector<128x16xf32>
    %dot_general3A_82 = arith.constant dense<0.000000e+00> : vector<128x16xf32>
    %dot_general3A_83 = tpu.matmul %convert_element_type3A_61, %slice3A_81, %dot_general3A_82 {dimension_numbers = #tpu.dot_dimension_numbers<[1], [0], [0], [1], [0, 0, 1, 1], [], []>, transpose_lhs_hint = false} : vector<128x128xf32>, vector<128x16xf32>, vector<128x16xf32> -> vector<128x16xf32>
    %add3A_84 = vector.broadcast %slice3A_80 : vector<1x16xf32> to vector<128x16xf32>
    %add3A_85 = arith.addf %dot_general3A_83, %add3A_84 : vector<128x16xf32>
    %slice3A_86 = vector.extract_strided_slice %add3A_85 {offsets = [127, 0], sizes = [1, 16], strides = [1, 1]} : vector<128x16xf32> to vector<1x16xf32>
    %slice3A_87 = vector.extract_strided_slice %concatenate3A {offsets = [512, 0], sizes = [128, 16], strides = [1, 1]} : vector<2048x16xf32> to vector<128x16xf32>
    %dot_general3A_88 = arith.constant dense<0.000000e+00> : vector<128x16xf32>
    %dot_general3A_89 = tpu.matmul %convert_element_type3A_61, %slice3A_87, %dot_general3A_88 {dimension_numbers = #tpu.dot_dimension_numbers<[1], [0], [0], [1], [0, 0, 1, 1], [], []>, transpose_lhs_hint = false} : vector<128x128xf32>, vector<128x16xf32>, vector<128x16xf32> -> vector<128x16xf32>
    %add3A_90 = vector.broadcast %slice3A_86 : vector<1x16xf32> to vector<128x16xf32>
    %add3A_91 = arith.addf %dot_general3A_89, %add3A_90 : vector<128x16xf32>
    %slice3A_92 = vector.extract_strided_slice %add3A_91 {offsets = [127, 0], sizes = [1, 16], strides = [1, 1]} : vector<128x16xf32> to vector<1x16xf32>
    %slice3A_93 = vector.extract_strided_slice %concatenate3A {offsets = [640, 0], sizes = [128, 16], strides = [1, 1]} : vector<2048x16xf32> to vector<128x16xf32>
    %dot_general3A_94 = arith.constant dense<0.000000e+00> : vector<128x16xf32>
    %dot_general3A_95 = tpu.matmul %convert_element_type3A_61, %slice3A_93, %dot_general3A_94 {dimension_numbers = #tpu.dot_dimension_numbers<[1], [0], [0], [1], [0, 0, 1, 1], [], []>, transpose_lhs_hint = false} : vector<128x128xf32>, vector<128x16xf32>, vector<128x16xf32> -> vector<128x16xf32>
    %add3A_96 = vector.broadcast %slice3A_92 : vector<1x16xf32> to vector<128x16xf32>
    %add3A_97 = arith.addf %dot_general3A_95, %add3A_96 : vector<128x16xf32>
    %slice3A_98 = vector.extract_strided_slice %add3A_97 {offsets = [127, 0], sizes = [1, 16], strides = [1, 1]} : vector<128x16xf32> to vector<1x16xf32>
    %slice3A_99 = vector.extract_strided_slice %concatenate3A {offsets = [768, 0], sizes = [128, 16], strides = [1, 1]} : vector<2048x16xf32> to vector<128x16xf32>
    %dot_general3A_100 = arith.constant dense<0.000000e+00> : vector<128x16xf32>
    %dot_general3A_101 = tpu.matmul %convert_element_type3A_61, %slice3A_99, %dot_general3A_100 {dimension_numbers = #tpu.dot_dimension_numbers<[1], [0], [0], [1], [0, 0, 1, 1], [], []>, transpose_lhs_hint = false} : vector<128x128xf32>, vector<128x16xf32>, vector<128x16xf32> -> vector<128x16xf32>
    %add3A_102 = vector.broadcast %slice3A_98 : vector<1x16xf32> to vector<128x16xf32>
    %add3A_103 = arith.addf %dot_general3A_101, %add3A_102 : vector<128x16xf32>
    %slice3A_104 = vector.extract_strided_slice %add3A_103 {offsets = [127, 0], sizes = [1, 16], strides = [1, 1]} : vector<128x16xf32> to vector<1x16xf32>
    %slice3A_105 = vector.extract_strided_slice %concatenate3A {offsets = [896, 0], sizes = [128, 16], strides = [1, 1]} : vector<2048x16xf32> to vector<128x16xf32>
    %dot_general3A_106 = arith.constant dense<0.000000e+00> : vector<128x16xf32>
    %dot_general3A_107 = tpu.matmul %convert_element_type3A_61, %slice3A_105, %dot_general3A_106 {dimension_numbers = #tpu.dot_dimension_numbers<[1], [0], [0], [1], [0, 0, 1, 1], [], []>, transpose_lhs_hint = false} : vector<128x128xf32>, vector<128x16xf32>, vector<128x16xf32> -> vector<128x16xf32>
    %add3A_108 = vector.broadcast %slice3A_104 : vector<1x16xf32> to vector<128x16xf32>
    %add3A_109 = arith.addf %dot_general3A_107, %add3A_108 : vector<128x16xf32>
    %slice3A_110 = vector.extract_strided_slice %add3A_109 {offsets = [127, 0], sizes = [1, 16], strides = [1, 1]} : vector<128x16xf32> to vector<1x16xf32>
    %slice3A_111 = vector.extract_strided_slice %concatenate3A {offsets = [1024, 0], sizes = [128, 16], strides = [1, 1]} : vector<2048x16xf32> to vector<128x16xf32>
    %dot_general3A_112 = arith.constant dense<0.000000e+00> : vector<128x16xf32>
    %dot_general3A_113 = tpu.matmul %convert_element_type3A_61, %slice3A_111, %dot_general3A_112 {dimension_numbers = #tpu.dot_dimension_numbers<[1], [0], [0], [1], [0, 0, 1, 1], [], []>, transpose_lhs_hint = false} : vector<128x128xf32>, vector<128x16xf32>, vector<128x16xf32> -> vector<128x16xf32>
    %add3A_114 = vector.broadcast %slice3A_110 : vector<1x16xf32> to vector<128x16xf32>
    %add3A_115 = arith.addf %dot_general3A_113, %add3A_114 : vector<128x16xf32>
    %slice3A_116 = vector.extract_strided_slice %add3A_115 {offsets = [127, 0], sizes = [1, 16], strides = [1, 1]} : vector<128x16xf32> to vector<1x16xf32>
    %slice3A_117 = vector.extract_strided_slice %concatenate3A {offsets = [1152, 0], sizes = [128, 16], strides = [1, 1]} : vector<2048x16xf32> to vector<128x16xf32>
    %dot_general3A_118 = arith.constant dense<0.000000e+00> : vector<128x16xf32>
    %dot_general3A_119 = tpu.matmul %convert_element_type3A_61, %slice3A_117, %dot_general3A_118 {dimension_numbers = #tpu.dot_dimension_numbers<[1], [0], [0], [1], [0, 0, 1, 1], [], []>, transpose_lhs_hint = false} : vector<128x128xf32>, vector<128x16xf32>, vector<128x16xf32> -> vector<128x16xf32>
    %add3A_120 = vector.broadcast %slice3A_116 : vector<1x16xf32> to vector<128x16xf32>
    %add3A_121 = arith.addf %dot_general3A_119, %add3A_120 : vector<128x16xf32>
    %slice3A_122 = vector.extract_strided_slice %add3A_121 {offsets = [127, 0], sizes = [1, 16], strides = [1, 1]} : vector<128x16xf32> to vector<1x16xf32>
    %slice3A_123 = vector.extract_strided_slice %concatenate3A {offsets = [1280, 0], sizes = [128, 16], strides = [1, 1]} : vector<2048x16xf32> to vector<128x16xf32>
    %dot_general3A_124 = arith.constant dense<0.000000e+00> : vector<128x16xf32>
    %dot_general3A_125 = tpu.matmul %convert_element_type3A_61, %slice3A_123, %dot_general3A_124 {dimension_numbers = #tpu.dot_dimension_numbers<[1], [0], [0], [1], [0, 0, 1, 1], [], []>, transpose_lhs_hint = false} : vector<128x128xf32>, vector<128x16xf32>, vector<128x16xf32> -> vector<128x16xf32>
    %add3A_126 = vector.broadcast %slice3A_122 : vector<1x16xf32> to vector<128x16xf32>
    %add3A_127 = arith.addf %dot_general3A_125, %add3A_126 : vector<128x16xf32>
    %slice3A_128 = vector.extract_strided_slice %add3A_127 {offsets = [127, 0], sizes = [1, 16], strides = [1, 1]} : vector<128x16xf32> to vector<1x16xf32>
    %slice3A_129 = vector.extract_strided_slice %concatenate3A {offsets = [1408, 0], sizes = [128, 16], strides = [1, 1]} : vector<2048x16xf32> to vector<128x16xf32>
    %dot_general3A_130 = arith.constant dense<0.000000e+00> : vector<128x16xf32>
    %dot_general3A_131 = tpu.matmul %convert_element_type3A_61, %slice3A_129, %dot_general3A_130 {dimension_numbers = #tpu.dot_dimension_numbers<[1], [0], [0], [1], [0, 0, 1, 1], [], []>, transpose_lhs_hint = false} : vector<128x128xf32>, vector<128x16xf32>, vector<128x16xf32> -> vector<128x16xf32>
    %add3A_132 = vector.broadcast %slice3A_128 : vector<1x16xf32> to vector<128x16xf32>
    %add3A_133 = arith.addf %dot_general3A_131, %add3A_132 : vector<128x16xf32>
    %slice3A_134 = vector.extract_strided_slice %add3A_133 {offsets = [127, 0], sizes = [1, 16], strides = [1, 1]} : vector<128x16xf32> to vector<1x16xf32>
    %slice3A_135 = vector.extract_strided_slice %concatenate3A {offsets = [1536, 0], sizes = [128, 16], strides = [1, 1]} : vector<2048x16xf32> to vector<128x16xf32>
    %dot_general3A_136 = arith.constant dense<0.000000e+00> : vector<128x16xf32>
    %dot_general3A_137 = tpu.matmul %convert_element_type3A_61, %slice3A_135, %dot_general3A_136 {dimension_numbers = #tpu.dot_dimension_numbers<[1], [0], [0], [1], [0, 0, 1, 1], [], []>, transpose_lhs_hint = false} : vector<128x128xf32>, vector<128x16xf32>, vector<128x16xf32> -> vector<128x16xf32>
    %add3A_138 = vector.broadcast %slice3A_134 : vector<1x16xf32> to vector<128x16xf32>
    %add3A_139 = arith.addf %dot_general3A_137, %add3A_138 : vector<128x16xf32>
    %slice3A_140 = vector.extract_strided_slice %add3A_139 {offsets = [127, 0], sizes = [1, 16], strides = [1, 1]} : vector<128x16xf32> to vector<1x16xf32>
    %slice3A_141 = vector.extract_strided_slice %concatenate3A {offsets = [1664, 0], sizes = [128, 16], strides = [1, 1]} : vector<2048x16xf32> to vector<128x16xf32>
    %dot_general3A_142 = arith.constant dense<0.000000e+00> : vector<128x16xf32>
    %dot_general3A_143 = tpu.matmul %convert_element_type3A_61, %slice3A_141, %dot_general3A_142 {dimension_numbers = #tpu.dot_dimension_numbers<[1], [0], [0], [1], [0, 0, 1, 1], [], []>, transpose_lhs_hint = false} : vector<128x128xf32>, vector<128x16xf32>, vector<128x16xf32> -> vector<128x16xf32>
    %add3A_144 = vector.broadcast %slice3A_140 : vector<1x16xf32> to vector<128x16xf32>
    %add3A_145 = arith.addf %dot_general3A_143, %add3A_144 : vector<128x16xf32>
    %slice3A_146 = vector.extract_strided_slice %add3A_145 {offsets = [127, 0], sizes = [1, 16], strides = [1, 1]} : vector<128x16xf32> to vector<1x16xf32>
    %slice3A_147 = vector.extract_strided_slice %concatenate3A {offsets = [1792, 0], sizes = [128, 16], strides = [1, 1]} : vector<2048x16xf32> to vector<128x16xf32>
    %dot_general3A_148 = arith.constant dense<0.000000e+00> : vector<128x16xf32>
    %dot_general3A_149 = tpu.matmul %convert_element_type3A_61, %slice3A_147, %dot_general3A_148 {dimension_numbers = #tpu.dot_dimension_numbers<[1], [0], [0], [1], [0, 0, 1, 1], [], []>, transpose_lhs_hint = false} : vector<128x128xf32>, vector<128x16xf32>, vector<128x16xf32> -> vector<128x16xf32>
    %add3A_150 = vector.broadcast %slice3A_146 : vector<1x16xf32> to vector<128x16xf32>
    %add3A_151 = arith.addf %dot_general3A_149, %add3A_150 : vector<128x16xf32>
    %slice3A_152 = vector.extract_strided_slice %add3A_151 {offsets = [127, 0], sizes = [1, 16], strides = [1, 1]} : vector<128x16xf32> to vector<1x16xf32>
    %slice3A_153 = vector.extract_strided_slice %concatenate3A {offsets = [1920, 0], sizes = [128, 16], strides = [1, 1]} : vector<2048x16xf32> to vector<128x16xf32>
    %dot_general3A_154 = arith.constant dense<0.000000e+00> : vector<128x16xf32>
    %dot_general3A_155 = tpu.matmul %convert_element_type3A_61, %slice3A_153, %dot_general3A_154 {dimension_numbers = #tpu.dot_dimension_numbers<[1], [0], [0], [1], [0, 0, 1, 1], [], []>, transpose_lhs_hint = false} : vector<128x128xf32>, vector<128x16xf32>, vector<128x16xf32> -> vector<128x16xf32>
    %add3A_156 = vector.broadcast %slice3A_152 : vector<1x16xf32> to vector<128x16xf32>
    %add3A_157 = arith.addf %dot_general3A_155, %add3A_156 : vector<128x16xf32>
    %slice3A_158 = vector.extract_strided_slice %add3A_157 {offsets = [127, 0], sizes = [1, 16], strides = [1, 1]} : vector<128x16xf32> to vector<1x16xf32>
    %concatenate3A_159 = tpu.concatenate %add3A_67, %add3A_73, %add3A_79, %add3A_85, %add3A_91, %add3A_97, %add3A_103, %add3A_109, %add3A_115, %add3A_121, %add3A_127, %add3A_133, %add3A_139, %add3A_145, %add3A_151, %add3A_157 in 0 : vector<128x16xf32>, vector<128x16xf32>, vector<128x16xf32>, vector<128x16xf32>, vector<128x16xf32>, vector<128x16xf32>, vector<128x16xf32>, vector<128x16xf32>, vector<128x16xf32>, vector<128x16xf32>, vector<128x16xf32>, vector<128x16xf32>, vector<128x16xf32>, vector<128x16xf32>, vector<128x16xf32>, vector<128x16xf32> -> vector<2048x16xf32>
    %slice3A_160 = vector.extract_strided_slice %slice3A_158 {offsets = [0, 0], sizes = [1, 8], strides = [1, 1]} : vector<1x16xf32> to vector<1x8xf32>
    %slice3A_161 = vector.extract_strided_slice %slice3A_158 {offsets = [0, 8], sizes = [1, 8], strides = [1, 1]} : vector<1x16xf32> to vector<1x8xf32>
    %add3A_162 = arith.addf %slice3A_160, %slice3A_161 : vector<1x8xf32>
    %div3A_163 = arith.constant 2.560000e+02 : f32
    %div3A_164 = vector.broadcast %div3A_163 : f32 to vector<1x8xf32>
    %div3A_165 = arith.divf %add3A_162, %div3A_164 : vector<1x8xf32>
    %ceil3A = math.ceil %div3A_165 : vector<1x8xf32>
    %mul3A = arith.constant 2.560000e+02 : f32
    %mul3A_166 = vector.broadcast %mul3A : f32 to vector<1x8xf32>
    %mul3A_167 = arith.mulf %ceil3A, %mul3A_166 : vector<1x8xf32>
    %broadcast_in_dim3A_168 = arith.constant 0.000000e+00 : f32
    %broadcast_in_dim3A_169 = vector.broadcast %broadcast_in_dim3A_168 : f32 to vector<1x1xf32>
    %slice3A_170 = vector.extract_strided_slice %mul3A_167 {offsets = [0, 0], sizes = [1, 7], strides = [1, 1]} : vector<1x8xf32> to vector<1x7xf32>
    %concatenate3A_171 = tpu.concatenate %broadcast_in_dim3A_169, %slice3A_170 in 1 : vector<1x1xf32>, vector<1x7xf32> -> vector<1x8xf32>
    %add3A_172 = arith.addf %mul3A_167, %concatenate3A_171 : vector<1x8xf32>
    %broadcast_in_dim3A_173 = arith.constant 0.000000e+00 : f32
    %broadcast_in_dim3A_174 = vector.broadcast %broadcast_in_dim3A_173 : f32 to vector<1x2xf32>
    %slice3A_175 = vector.extract_strided_slice %add3A_172 {offsets = [0, 0], sizes = [1, 6], strides = [1, 1]} : vector<1x8xf32> to vector<1x6xf32>
    %concatenate3A_176 = tpu.concatenate %broadcast_in_dim3A_174, %slice3A_175 in 1 : vector<1x2xf32>, vector<1x6xf32> -> vector<1x8xf32>
    %add3A_177 = arith.addf %add3A_172, %concatenate3A_176 : vector<1x8xf32>
    %broadcast_in_dim3A_178 = arith.constant 0.000000e+00 : f32
    %broadcast_in_dim3A_179 = vector.broadcast %broadcast_in_dim3A_178 : f32 to vector<1x4xf32>
    %slice3A_180 = vector.extract_strided_slice %add3A_177 {offsets = [0, 0], sizes = [1, 4], strides = [1, 1]} : vector<1x8xf32> to vector<1x4xf32>
    %concatenate3A_181 = tpu.concatenate %broadcast_in_dim3A_179, %slice3A_180 in 1 : vector<1x4xf32>, vector<1x4xf32> -> vector<1x8xf32>
    %add3A_182 = arith.addf %add3A_177, %concatenate3A_181 : vector<1x8xf32>
    %sub3A_183 = arith.subf %add3A_182, %mul3A_167 : vector<1x8xf32>
    %slice3A_184 = vector.extract_strided_slice %concatenate3A_159 {offsets = [0, 0], sizes = [2048, 8], strides = [1, 1]} : vector<2048x16xf32> to vector<2048x8xf32>
    %slice3A_185 = vector.extract_strided_slice %concatenate3A_159 {offsets = [0, 8], sizes = [2048, 8], strides = [1, 1]} : vector<2048x16xf32> to vector<2048x8xf32>
    %add3A_186 = vector.broadcast %slice3A_160 : vector<1x8xf32> to vector<2048x8xf32>
    %add3A_187 = arith.addf %slice3A_185, %add3A_186 : vector<2048x8xf32>
    %sub3A_188 = arith.subf %slice3A_184, %convert_element_type3A_53 : vector<2048x8xf32>
    %add3A_189 = vector.broadcast %sub3A_183 : vector<1x8xf32> to vector<2048x8xf32>
    %add3A_190 = arith.addf %sub3A_188, %add3A_189 : vector<2048x8xf32>
    %mul3A_191 = arith.mulf %convert_element_type3A_53, %add3A_190 : vector<2048x8xf32>
    %reduce_sum3A = arith.constant dense<0.000000e+00> : vector<2048xf32>
    %reduce_sum3A_192 = vector.multi_reduction <add>, %mul3A_191, %reduce_sum3A [1] : vector<2048x8xf32> to vector<2048xf32>
    %broadcast_in_dim3A_193 = vector.shape_cast %reduce_sum3A_192 : vector<2048xf32> to vector<2048x1xf32>
    %convert_element_type3A_194 = arith.fptosi %broadcast_in_dim3A_193 : vector<2048x1xf32> to vector<2048x1xi32>
    %swap3A_195 = arith.constant 0 : index
    %swap3A_196 = arith.constant 0 : index
    %swap3A_197 = vector.load %arg4[%swap3A_195, %swap3A_196] : memref<2048x2xi32, #tpu.memory_space<vmem>>, vector<2048x1xi32>
    tpu.vector_store %arg4[%swap3A_195, %swap3A_196], %convert_element_type3A_194 {strides = array<i32>} : memref<2048x2xi32, #tpu.memory_space<vmem>>, vector<2048x1xi32>,
    %sub3A_198 = arith.subf %add3A_187, %convert_element_type3A_57 : vector<2048x8xf32>
    %add3A_199 = vector.broadcast %sub3A_183 : vector<1x8xf32> to vector<2048x8xf32>
    %add3A_200 = arith.addf %sub3A_198, %add3A_199 : vector<2048x8xf32>
    %mul3A_201 = arith.mulf %convert_element_type3A_57, %add3A_200 : vector<2048x8xf32>
    %reduce_sum3A_202 = arith.constant dense<0.000000e+00> : vector<2048xf32>
    %reduce_sum3A_203 = vector.multi_reduction <add>, %mul3A_201, %reduce_sum3A_202 [1] : vector<2048x8xf32> to vector<2048xf32>
    %broadcast_in_dim3A_204 = vector.shape_cast %reduce_sum3A_203 : vector<2048xf32> to vector<2048x1xf32>
    %convert_element_type3A_205 = arith.fptosi %broadcast_in_dim3A_204 : vector<2048x1xf32> to vector<2048x1xi32>
    %swap3A_206 = arith.constant 0 : index
    %swap3A_207 = arith.constant 1 : index
    %swap3A_208 = vector.load %arg4[%swap3A_206, %swap3A_207] : memref<2048x2xi32, #tpu.memory_space<vmem>>, vector<2048x1xi32>
    tpu.vector_store %arg4[%swap3A_206, %swap3A_207], %convert_element_type3A_205 {strides = array<i32>} : memref<2048x2xi32, #tpu.memory_space<vmem>>, vector<2048x1xi32>,
    %iota3A_209 = tpu.iota {dimensions = array<i32: 0>} : vector<8x8xi32>
    %iota3A_210 = tpu.iota {dimensions = array<i32: 1>} : vector<8x8xi32>
    %eq3A_211 = arith.cmpi eq, %iota3A_209, %iota3A_210 : vector<8x8xi32>
    %broadcast_in_dim3A_212 = vector.shape_cast %sub3A_183 : vector<1x8xf32> to vector<1x8xf32>
    %broadcast_in_dim3A_213 = vector.broadcast %broadcast_in_dim3A_212 : vector<1x8xf32> to vector<8x8xf32>
    %jit3A_214 = arith.constant 0.000000e+00 : f32
    %broadcast_in_dim3A_215 = vector.broadcast %jit3A_214 : f32 to vector<8x8xf32>
    %select_n3A_216 = arith.select %eq3A_211, %broadcast_in_dim3A_213, %broadcast_in_dim3A_215 : vector<8x8xi1>, vector<8x8xf32>
    %reduce_sum3A_217 = arith.constant dense<0.000000e+00> : vector<8xf32>
    %reduce_sum3A_218 = vector.multi_reduction <add>, %select_n3A_216, %reduce_sum3A_217 [1] : vector<8x8xf32> to vector<8xf32>
    %broadcast_in_dim3A_219 = vector.shape_cast %reduce_sum3A_218 : vector<8xf32> to vector<8x1xf32>
    %convert_element_type3A_220 = arith.fptosi %broadcast_in_dim3A_219 : vector<8x1xf32> to vector<8x1xi32>
    %broadcast_in_dim3A_221 = vector.shape_cast %mul3A_167 : vector<1x8xf32> to vector<1x8xf32>
    %broadcast_in_dim3A_222 = vector.broadcast %broadcast_in_dim3A_221 : vector<1x8xf32> to vector<8x8xf32>
    %jit3A_223 = arith.constant 0.000000e+00 : f32
    %broadcast_in_dim3A_224 = vector.broadcast %jit3A_223 : f32 to vector<8x8xf32>
    %select_n3A_225 = arith.select %eq3A_211, %broadcast_in_dim3A_222, %broadcast_in_dim3A_224 : vector<8x8xi1>, vector<8x8xf32>
    %reduce_sum3A_226 = arith.constant dense<0.000000e+00> : vector<8xf32>
    %reduce_sum3A_227 = vector.multi_reduction <add>, %select_n3A_225, %reduce_sum3A_226 [1] : vector<8x8xf32> to vector<8xf32>
    %broadcast_in_dim3A_228 = vector.shape_cast %reduce_sum3A_227 : vector<8xf32> to vector<8x1xf32>
    %convert_element_type3A_229 = arith.fptosi %broadcast_in_dim3A_228 : vector<8x1xf32> to vector<8x1xi32>
    %iota3A_230 = tpu.iota {dimensions = array<i32: 1>} : vector<8x24xi32>
    %mul3A_231 = arith.constant 256 : i32
    %mul3A_232 = vector.broadcast %mul3A_231 : i32 to vector<8x24xi32>
    %mul3A_233 = arith.muli %iota3A_230, %mul3A_232 : vector<8x24xi32>
    %ge3A_234 = vector.broadcast %convert_element_type3A_220 : vector<8x1xi32> to vector<8x24xi32>
    %ge3A_235 = arith.cmpi sge, %mul3A_233, %ge3A_234 : vector<8x24xi32>
    %add3A_236 = arith.addi %convert_element_type3A_220, %convert_element_type3A_229 : vector<8x1xi32>
    %lt3A_237 = vector.broadcast %add3A_236 : vector<8x1xi32> to vector<8x24xi32>
    %lt3A_238 = arith.cmpi slt, %mul3A_233, %lt3A_237 : vector<8x24xi32>
    %and3A = arith.andi %ge3A_235, %lt3A_238 : vector<8x24xi1>
    %iota3A_239 = tpu.iota {dimensions = array<i32: 0>} : vector<8x24xi32>
    %jit3A_240 = arith.constant 0 : i32
    %broadcast_in_dim3A_241 = vector.broadcast %jit3A_240 : i32 to vector<8x24xi32>
    %select_n3A_242 = arith.select %and3A, %iota3A_239, %broadcast_in_dim3A_241 : vector<8x24xi1>, vector<8x24xi32>
    %reduce_sum3A_243 = arith.constant dense<0> : vector<24xi32>
    %reduce_sum3A_244 = vector.multi_reduction <add>, %select_n3A_242, %reduce_sum3A_243 [0] : vector<8x24xi32> to vector<24xi32>
    %broadcast_in_dim3A_245 = vector.shape_cast %reduce_sum3A_244 : vector<24xi32> to vector<1x24xi32>
    %convert_element_type3A_246 = arith.extui %and3A : vector<8x24xi1> to vector<8x24xi32>
    %reduce_sum3A_247 = arith.constant dense<0> : vector<24xi32>
    %reduce_sum3A_248 = vector.multi_reduction <add>, %convert_element_type3A_246, %reduce_sum3A_247 [0] : vector<8x24xi32> to vector<24xi32>
    %broadcast_in_dim3A_249 = vector.shape_cast %reduce_sum3A_248 : vector<24xi32> to vector<1x24xi32>
    %broadcast_in_dim3A_250 = arith.constant 0 : i32
    %broadcast_in_dim3A_251 = vector.broadcast %broadcast_in_dim3A_250 : i32 to vector<1x1xi32>
    %slice3A_252 = vector.extract_strided_slice %broadcast_in_dim3A_245 {offsets = [0, 0], sizes = [1, 23], strides = [1, 1]} : vector<1x24xi32> to vector<1x23xi32>
    %concatenate3A_253 = tpu.concatenate %broadcast_in_dim3A_251, %slice3A_252 in 1 : vector<1x1xi32>, vector<1x23xi32> -> vector<1x24xi32>
    %max3A = arith.maxsi %broadcast_in_dim3A_245, %concatenate3A_253 : vector<1x24xi32>
    %broadcast_in_dim3A_254 = arith.constant 0 : i32
    %broadcast_in_dim3A_255 = vector.broadcast %broadcast_in_dim3A_254 : i32 to vector<1x2xi32>
    %slice3A_256 = vector.extract_strided_slice %max3A {offsets = [0, 0], sizes = [1, 22], strides = [1, 1]} : vector<1x24xi32> to vector<1x22xi32>
    %concatenate3A_257 = tpu.concatenate %broadcast_in_dim3A_255, %slice3A_256 in 1 : vector<1x2xi32>, vector<1x22xi32> -> vector<1x24xi32>
    %max3A_258 = arith.maxsi %max3A, %concatenate3A_257 : vector<1x24xi32>
    %broadcast_in_dim3A_259 = arith.constant 0 : i32
    %broadcast_in_dim3A_260 = vector.broadcast %broadcast_in_dim3A_259 : i32 to vector<1x4xi32>
    %slice3A_261 = vector.extract_strided_slice %max3A_258 {offsets = [0, 0], sizes = [1, 20], strides = [1, 1]} : vector<1x24xi32> to vector<1x20xi32>
    %concatenate3A_262 = tpu.concatenate %broadcast_in_dim3A_260, %slice3A_261 in 1 : vector<1x4xi32>, vector<1x20xi32> -> vector<1x24xi32>
    %max3A_263 = arith.maxsi %max3A_258, %concatenate3A_262 : vector<1x24xi32>
    %broadcast_in_dim3A_264 = arith.constant 0 : i32
    %broadcast_in_dim3A_265 = vector.broadcast %broadcast_in_dim3A_264 : i32 to vector<1x8xi32>
    %slice3A_266 = vector.extract_strided_slice %max3A_263 {offsets = [0, 0], sizes = [1, 16], strides = [1, 1]} : vector<1x24xi32> to vector<1x16xi32>
    %concatenate3A_267 = tpu.concatenate %broadcast_in_dim3A_265, %slice3A_266 in 1 : vector<1x8xi32>, vector<1x16xi32> -> vector<1x24xi32>
    %max3A_268 = arith.maxsi %max3A_263, %concatenate3A_267 : vector<1x24xi32>
    %broadcast_in_dim3A_269 = arith.constant 0 : i32
    %broadcast_in_dim3A_270 = vector.broadcast %broadcast_in_dim3A_269 : i32 to vector<1x16xi32>
    %slice3A_271 = vector.extract_strided_slice %max3A_268 {offsets = [0, 0], sizes = [1, 8], strides = [1, 1]} : vector<1x24xi32> to vector<1x8xi32>
    %concatenate3A_272 = tpu.concatenate %broadcast_in_dim3A_270, %slice3A_271 in 1 : vector<1x16xi32>, vector<1x8xi32> -> vector<1x24xi32>
    %max3A_273 = arith.maxsi %max3A_268, %concatenate3A_272 : vector<1x24xi32>
    %swap3A_274 = arith.constant 0 : index
    %swap3A_275 = arith.constant 0 : index
    %swap3A_276 = vector.load %arg5[%swap3A_274, %swap3A_275] : memref<1x24xi32, #tpu.memory_space<vmem>>, vector<1x24xi32>
    tpu.vector_store %arg5[%swap3A_274, %swap3A_275], %max3A_273 {strides = array<i32>} : memref<1x24xi32, #tpu.memory_space<vmem>>, vector<1x24xi32>,
    %swap3A_277 = arith.constant 0 : index
    %swap3A_278 = arith.constant 0 : index
    %swap3A_279 = vector.load %arg6[%swap3A_277, %swap3A_278] : memref<1x24xi32, #tpu.memory_space<vmem>>, vector<1x24xi32>
    tpu.vector_store %arg6[%swap3A_277, %swap3A_278], %broadcast_in_dim3A_249 {strides = array<i32>} : memref<1x24xi32, #tpu.memory_space<vmem>>, vector<1x24xi32>,
    return
  }
}

module attributes {stable_mosaic.version = 14 : i64} {
  func.func @_expert_body(%arg0: i32, %arg1: memref<24xi32, #tpu.memory_space<smem>>, %arg2: memref<24xi32, #tpu.memory_space<smem>>, %arg3: memref<256x1024xf32, #tpu.memory_space<vmem>>, %arg4: memref<1x1024x1024xf32, #tpu.memory_space<vmem>>, %arg5: memref<1x1024x1024xf32, #tpu.memory_space<vmem>>, %arg6: memref<1x1024x1024xf32, #tpu.memory_space<vmem>>, %arg7: memref<256x1024xf32, #tpu.memory_space<vmem>>) attributes {dimension_semantics = [#tpu.dimension_semantics<arbitrary>], iteration_bounds = array<i64: 24>, scalar_prefetch = 2 : i64, scratch_operands = 0 : i64, tpu.core_type = #tpu.core_type<tc>, window_params = [{transform_indices = @transform_0, window_bounds = array<i64: 256, 1024>}, {transform_indices = @transform_1, window_bounds = array<i64: 1, 1024, 1024>}, {transform_indices = @transform_2, window_bounds = array<i64: 1, 1024, 1024>}, {transform_indices = @transform_3, window_bounds = array<i64: 1, 1024, 1024>}, {transform_indices = @transform_4, window_bounds = array<i64: 256, 1024>}]} {
    %get3A = arith.index_cast %arg0 : i32 to index
    %get3A_0 = memref.load %arg2[%get3A] : memref<24xi32, #tpu.memory_space<smem>>
    %ne3A = arith.constant 0 : i32
    %ne3A_1 = arith.cmpi ne, %get3A_0, %ne3A : i32
    %convert_element_type3A = arith.extui %ne3A_1 : i1 to i32
    %cond3A = arith.constant 0 : i32
    %cond3A_2 = arith.cmpi ne, %convert_element_type3A, %cond3A : i32
    scf.if %cond3A_2 {
      %get3A_3 = arith.constant 0 : index
      %get3A_4 = arith.constant 0 : index
      %get3A_5 = vector.load %arg3[%get3A_3, %get3A_4] : memref<256x1024xf32, #tpu.memory_space<vmem>>, vector<256x1024xf32>
      %get3A_6 = arith.constant 0 : index
      %get3A_7 = arith.constant 0 : index
      %get3A_8 = arith.constant 0 : index
      %get3A_9 = vector.load %arg4[%get3A_6, %get3A_7, %get3A_8] : memref<1x1024x1024xf32, #tpu.memory_space<vmem>>, vector<1x1024x1024xf32>
      %get3A_10 = vector.shape_cast %get3A_9 : vector<1x1024x1024xf32> to vector<1024x1024xf32>
      %dot_general3A = arith.constant dense<0.000000e+00> : vector<256x1024xf32>
      %dot_general3A_11 = tpu.matmul %get3A_5, %get3A_10, %dot_general3A {dimension_numbers = #tpu.dot_dimension_numbers<[1], [0], [0], [1], [0, 0, 1, 1], [], []>, transpose_lhs_hint = false} : vector<256x1024xf32>, vector<1024x1024xf32>, vector<256x1024xf32> -> vector<256x1024xf32>
      %get3A_12 = arith.constant 0 : index
      %get3A_13 = arith.constant 0 : index
      %get3A_14 = arith.constant 0 : index
      %get3A_15 = vector.load %arg5[%get3A_12, %get3A_13, %get3A_14] : memref<1x1024x1024xf32, #tpu.memory_space<vmem>>, vector<1x1024x1024xf32>
      %get3A_16 = vector.shape_cast %get3A_15 : vector<1x1024x1024xf32> to vector<1024x1024xf32>
      %dot_general3A_17 = arith.constant dense<0.000000e+00> : vector<256x1024xf32>
      %dot_general3A_18 = tpu.matmul %get3A_5, %get3A_16, %dot_general3A_17 {dimension_numbers = #tpu.dot_dimension_numbers<[1], [0], [0], [1], [0, 0, 1, 1], [], []>, transpose_lhs_hint = false} : vector<256x1024xf32>, vector<1024x1024xf32>, vector<256x1024xf32> -> vector<256x1024xf32>
      %neg3A = arith.constant 0.000000e+00 : f32
      %neg3A_19 = vector.broadcast %neg3A : f32 to vector<256x1024xf32>
      %neg3A_20 = arith.subf %neg3A_19, %dot_general3A_11 : vector<256x1024xf32>
      %exp3A = math.exp %neg3A_20 : vector<256x1024xf32>
      %add3A = arith.constant 1.000000e+00 : f32
      %add3A_21 = vector.broadcast %add3A : f32 to vector<256x1024xf32>
      %add3A_22 = arith.addf %add3A_21, %exp3A : vector<256x1024xf32>
      %div3A = arith.divf %dot_general3A_11, %add3A_22 : vector<256x1024xf32>
      %mul3A = arith.mulf %div3A, %dot_general3A_18 : vector<256x1024xf32>
      %get3A_23 = arith.constant 0 : index
      %get3A_24 = arith.constant 0 : index
      %get3A_25 = arith.constant 0 : index
      %get3A_26 = vector.load %arg6[%get3A_23, %get3A_24, %get3A_25] : memref<1x1024x1024xf32, #tpu.memory_space<vmem>>, vector<1x1024x1024xf32>
      %get3A_27 = vector.shape_cast %get3A_26 : vector<1x1024x1024xf32> to vector<1024x1024xf32>
      %dot_general3A_28 = arith.constant dense<0.000000e+00> : vector<256x1024xf32>
      %dot_general3A_29 = tpu.matmul %mul3A, %get3A_27, %dot_general3A_28 {dimension_numbers = #tpu.dot_dimension_numbers<[1], [0], [0], [1], [0, 0, 1, 1], [], []>, transpose_lhs_hint = false} : vector<256x1024xf32>, vector<1024x1024xf32>, vector<256x1024xf32> -> vector<256x1024xf32>
      %swap3A = arith.constant 0 : index
      %swap3A_30 = arith.constant 0 : index
      %swap3A_31 = vector.load %arg7[%swap3A, %swap3A_30] : memref<256x1024xf32, #tpu.memory_space<vmem>>, vector<256x1024xf32>
      tpu.vector_store %arg7[%swap3A, %swap3A_30], %dot_general3A_29 {strides = array<i32>} : memref<256x1024xf32, #tpu.memory_space<vmem>>, vector<256x1024xf32>,
    } else {
    }
    return
  }
  func.func @transform_0(%arg0: i32, %arg1: memref<24xi32, #tpu.memory_space<smem>>, %arg2: memref<24xi32, #tpu.memory_space<smem>>) -> (i32, i32) {
    %c0_i32 = arith.constant 0 : i32
    %c0_i32_0 = arith.constant 0 : i32
    return %arg0, %c0_i32 : i32, i32
  }
  func.func @transform_1(%arg0: i32, %arg1: memref<24xi32, #tpu.memory_space<smem>>, %arg2: memref<24xi32, #tpu.memory_space<smem>>) -> (i32, i32, i32) {
    %get3A = arith.index_cast %arg0 : i32 to index
    %get3A_0 = memref.load %arg1[%get3A] : memref<24xi32, #tpu.memory_space<smem>>
    %c0_i32 = arith.constant 0 : i32
    %c0_i32_1 = arith.constant 0 : i32
    %c0_i32_2 = arith.constant 0 : i32
    return %get3A_0, %c0_i32, %c0_i32_1 : i32, i32, i32
  }
  func.func @transform_2(%arg0: i32, %arg1: memref<24xi32, #tpu.memory_space<smem>>, %arg2: memref<24xi32, #tpu.memory_space<smem>>) -> (i32, i32, i32) {
    %get3A = arith.index_cast %arg0 : i32 to index
    %get3A_0 = memref.load %arg1[%get3A] : memref<24xi32, #tpu.memory_space<smem>>
    %c0_i32 = arith.constant 0 : i32
    %c0_i32_1 = arith.constant 0 : i32
    %c0_i32_2 = arith.constant 0 : i32
    return %get3A_0, %c0_i32, %c0_i32_1 : i32, i32, i32
  }
  func.func @transform_3(%arg0: i32, %arg1: memref<24xi32, #tpu.memory_space<smem>>, %arg2: memref<24xi32, #tpu.memory_space<smem>>) -> (i32, i32, i32) {
    %get3A = arith.index_cast %arg0 : i32 to index
    %get3A_0 = memref.load %arg1[%get3A] : memref<24xi32, #tpu.memory_space<smem>>
    %c0_i32 = arith.constant 0 : i32
    %c0_i32_1 = arith.constant 0 : i32
    %c0_i32_2 = arith.constant 0 : i32
    return %get3A_0, %c0_i32, %c0_i32_1 : i32, i32, i32
  }
  func.func @transform_4(%arg0: i32, %arg1: memref<24xi32, #tpu.memory_space<smem>>, %arg2: memref<24xi32, #tpu.memory_space<smem>>) -> (i32, i32) {
    %c0_i32 = arith.constant 0 : i32
    %c0_i32_0 = arith.constant 0 : i32
    return %arg0, %c0_i32 : i32, i32
  }
}

module attributes {stable_mosaic.version = 14 : i64} {
  func.func @_combine_body(%arg0: i32, %arg1: memref<512x1024xf32, #tpu.memory_space<vmem>>, %arg2: memref<512x1024xf32, #tpu.memory_space<vmem>>, %arg3: memref<512x2xf32, #tpu.memory_space<vmem>>, %arg4: memref<512x1024xf32, #tpu.memory_space<vmem>>) attributes {dimension_semantics = [#tpu.dimension_semantics<arbitrary>], iteration_bounds = array<i64: 4>, scalar_prefetch = 0 : i64, scratch_operands = 0 : i64, tpu.core_type = #tpu.core_type<tc>, window_params = [{transform_indices = @transform_0, window_bounds = array<i64: 512, 1024>}, {transform_indices = @transform_1, window_bounds = array<i64: 512, 1024>}, {transform_indices = @transform_2, window_bounds = array<i64: 512, 2>}, {transform_indices = @transform_3, window_bounds = array<i64: 512, 1024>}]} {
    %get3A = arith.constant 0 : index
    %get3A_0 = arith.constant 0 : index
    %get3A_1 = vector.load %arg3[%get3A, %get3A_0] : memref<512x2xf32, #tpu.memory_space<vmem>>, vector<512x2xf32>
    %get3A_2 = arith.constant 0 : index
    %get3A_3 = arith.constant 0 : index
    %get3A_4 = vector.load %arg1[%get3A_2, %get3A_3] : memref<512x1024xf32, #tpu.memory_space<vmem>>, vector<512x1024xf32>
    %slice3A = vector.extract_strided_slice %get3A_1 {offsets = [0, 0], sizes = [512, 1], strides = [1, 1]} : vector<512x2xf32> to vector<512x1xf32>
    %mul3A = vector.broadcast %slice3A : vector<512x1xf32> to vector<512x1024xf32>
    %mul3A_5 = arith.mulf %get3A_4, %mul3A : vector<512x1024xf32>
    %get3A_6 = arith.constant 0 : index
    %get3A_7 = arith.constant 0 : index
    %get3A_8 = vector.load %arg2[%get3A_6, %get3A_7] : memref<512x1024xf32, #tpu.memory_space<vmem>>, vector<512x1024xf32>
    %slice3A_9 = vector.extract_strided_slice %get3A_1 {offsets = [0, 1], sizes = [512, 1], strides = [1, 1]} : vector<512x2xf32> to vector<512x1xf32>
    %mul3A_10 = vector.broadcast %slice3A_9 : vector<512x1xf32> to vector<512x1024xf32>
    %mul3A_11 = arith.mulf %get3A_8, %mul3A_10 : vector<512x1024xf32>
    %add3A = arith.addf %mul3A_5, %mul3A_11 : vector<512x1024xf32>
    %swap3A = arith.constant 0 : index
    %swap3A_12 = arith.constant 0 : index
    %swap3A_13 = vector.load %arg4[%swap3A, %swap3A_12] : memref<512x1024xf32, #tpu.memory_space<vmem>>, vector<512x1024xf32>
    tpu.vector_store %arg4[%swap3A, %swap3A_12], %add3A {strides = array<i32>} : memref<512x1024xf32, #tpu.memory_space<vmem>>, vector<512x1024xf32>,
    return
  }
  func.func @transform_0(%arg0: i32) -> (i32, i32) {
    %c0_i32 = arith.constant 0 : i32
    %c0_i32_0 = arith.constant 0 : i32
    return %arg0, %c0_i32 : i32, i32
  }
  func.func @transform_1(%arg0: i32) -> (i32, i32) {
    %c0_i32 = arith.constant 0 : i32
    %c0_i32_0 = arith.constant 0 : i32
    return %arg0, %c0_i32 : i32, i32
  }
  func.func @transform_2(%arg0: i32) -> (i32, i32) {
    %c0_i32 = arith.constant 0 : i32
    %c0_i32_0 = arith.constant 0 : i32
    return %arg0, %c0_i32 : i32, i32
  }
  func.func @transform_3(%arg0: i32) -> (i32, i32) {
    %c0_i32 = arith.constant 0 : i32
    %c0_i32_0 = arith.constant 0 : i32
    return %arg0, %c0_i32 : i32, i32
  }
}

</mosaic_0001>

<sc_bundles>
// kernel: kernel.10.cloned.1.call-start
scs
__scs_entry_jumppad:
0x0: {  	(pc) =	sbr.rel $0x88, $3  }
0x1: {  	(tag) =	ssettag $0x0;
	lr =	simm.s32 $0x1  }
0x2: {  	[smem:$0x3F9C] =	sst lr;
	_ =	strace $0xD0000000  }
0x3: {  	_ = 	snop  }
0x4: {  	_ = 	snop  }
0x5: {  	_ = 	snop  }
0x6: {  	_ = 	snop  }
0x7: {  	_ = 	snop  }
__scs_overlays_trampoline_lowered:
0x8: {  	[smem:$0x3FAB] =	sst s0  }
0x9: {  	[smem:$0x3FAC] =	sst s1  }
0xa: {  	[smem:$0x3FAD] =	sst s2  }
0xb: {  	[smem:$0x3FAE] =	sst s3  }
0xc: {  	[smem:$0x3FAF] =	sst s4  }
0xd: {  	[smem:$0x3FB0] =	sst s5  }
0xe: {  	[smem:$0x3FB1] =	sst s6  }
0xf: {  	[smem:$0x3FB2] =	sst s7  }
0x10: {  	[smem:$0x3FB3] =	sst s8  }
0x11: {  	[smem:$0x3FB4] =	sst s9;
	s0 =	simm.s32 @!p0 $0x0  }
0x12: {  	s1 =	sld [smem:$0x3F9A];
	s0 =	simm.s32 @p0 $0x1  }
0x13: {  	[smem:$0x3FB5] =	sst s0;
	s0 =	simm.s32 @!p1 $0x0  }
0x14: {  	s2 =	sld [smem:$0x3F99];
	s0 =	simm.s32 @p1 $0x1  }
0x15: {  	[smem:$0x3FB6] =	sst s0;
	s0 =	simm.s32 @!p2 $0x0  }
0x16: {  	s3 =	sld [smem:$0x3FDB];
	s0 =	simm.s32 @p2 $0x1  }
0x17: {  	s4 =	simm.s32 $0x1BF5;
	[smem:$0x3FB8] =	sst s0  }
0x18: {  	s0 =	sld [smem:$0x3F9B];
	_ =	swait.ge [sflag:s4], $0x0  }
0x19: {  	s7 =	sld [smem:$0x3F9C]  }
0x1a: {  	s8 =	sadd.s32 $0xFFFFE003, lr  }
0x1b: {  	s9 =	sadd.s32 $0xFFFFFEF7, lr;
	s5 =	simm.s32 $0xFFFFFFFF;
	p2 =	slt.u32 s8, $0xFFFFF086  }
0x1c: {  	p1 =	slt.u32 s9, $0xF7A;
	s5 =	simm.s32 @!p2 $0x0  }
0x1d: {  	s5 =	simm.s32 @p1 $0x1;
	p0 =	seq.s32 s7, s2  }
0x1e: {  	s7 =	smul.u32 @!p0 $0xF7A, s2;
	p2 =	seq.s32 @!p0 s5, $0x0  }
0x1f: {  	s9 =	smul.u32 $0xF7A, s1;
	s8 =	simm.s32 @!p0 $0x1BF5;
	p2 =	por !p2, p0  }
0x20: {  	[sflag:s8] =	ssyncset.s32 @!p0 $0xFFFFF086;
	s6 =	sadd.s32 @!p0 s3, s7;
	s7 =	simm.s32 @!p0 $0x108  }
0x21: {  	s3 =	sadd.s32 s3, s9;
	s6 =	sadd.s32 @!p0 $0x88, s6;
	s7 =	simm.s32 @p2 $0x1082  }
0x22: {  	[simem:s7], [sflag:s8] =	dma.local @!p0 [hbm:s6], $0xF7A  }
0x23: {  	s9 =	sor.u32 $0xD0000000, s2;
	s6 =	simm.s32 $0x108;
	_ =	swait.ge @!p0 [sflag:s8], $0x0  }
0x24: {  	s3 =	sadd.s32 $0x88, s3;
	s6 =	simm.s32 @!p1 $0x1082;
	[sflag:s4] =	ssyncset.s32 $0xFFFFF086  }
0x25: {  	[simem:s6], [sflag:s4] =	dma.local [hbm:s3], $0xF7A  }
0x26: {  	[smem:$0x3F9C] =	sst s1;
	(tag) =	ssettag s2;
	_ =	strace s9  }
0x27: {  	s1 =	sld [smem:$0x3FAC]  }
0x28: {  	s2 =	sld [smem:$0x3FAD]  }
0x29: {  	s4 =	sld [smem:$0x3FAF]  }
0x2a: {  	p0 =	seq.s32 s5, $0x0;
	s5 =	sld [smem:$0x3FB0]  }
0x2b: {  	s6 =	sld [smem:$0x3FB1]  }
0x2c: {  	s7 =	sld [smem:$0x3FB2]  }
0x2d: {  	s3 =	simm.s32 $0x108;
	s8 =	sld [smem:$0x3FB3]  }
0x2e: {  	s3 =	simm.s32 @!p0 $0x1082;
	s9 =	sld [smem:$0x3FB4]  }
0x2f: {  	lr =	sadd.s32 s0, s3;
	s0 =	sld [smem:$0x3FAB]  }
0x30: {  	s3 =	sld [smem:$0x3FAE]  }
0x31: {  	[smem:$0x3FB7] =	sst s10  }
0x32: {  	s10 =	sld [smem:$0x3FB5];
	_ =	sdelay $0x3  }
0x33: {  	p0 =	seq.s32 s10, $0x1;
	s10 =	sld [smem:$0x3FB7];
	_ =	sdelay $0x3  }
0x34: {  	[smem:$0x3FB7] =	sst s10  }
0x35: {  	s10 =	sld [smem:$0x3FB6];
	_ =	sdelay $0x3  }
0x36: {  	p1 =	seq.s32 s10, $0x1;
	s10 =	sld [smem:$0x3FB7];
	_ =	sdelay $0x3  }
0x37: {  	[smem:$0x3FB7] =	sst s10  }
0x38: {  	s10 =	sld [smem:$0x3FB8]  }
0x39: {  	_ = 	snop;
	(pc) =	sbr.ind lr, $3  }
0x3a: {  	_ = 	snop  }
0x3b: {  	_ = 	snop  }
0x3c: {  	p2 =	seq.s32 s10, $0x1;
	s10 =	sld [smem:$0x3FB7]  }
0x3d: {  	_ =	shalt  }
0x3e: {  	_ =	shalt  }
0x3f: {  	_ =	shalt  }
0x40: {  	_ =	shalt  }
0x41: {  	_ =	shalt  }
0x42: {  	_ =	shalt  }
0x43: {  	_ =	shalt  }
0x44: {  	_ =	shalt  }
0x45: {  	_ =	shalt  }
0x46: {  	_ =	shalt  }
0x47: {  	_ =	shalt  }
0x48: {  	_ =	shalt  }
0x49: {  	_ =	shalt  }
0x4a: {  	_ =	shalt  }
0x4b: {  	_ =	shalt  }
0x4c: {  	_ =	shalt  }
0x4d: {  	_ =	shalt  }
0x4e: {  	_ =	shalt  }
0x4f: {  	_ =	shalt  }
0x50: {  	_ =	shalt  }
0x51: {  	_ =	shalt  }
0x52: {  	_ =	shalt  }
0x53: {  	_ =	shalt  }
0x54: {  	_ =	shalt  }
0x55: {  	_ =	shalt  }
0x56: {  	_ =	shalt  }
0x57: {  	_ =	shalt  }
0x58: {  	_ =	shalt  }
0x59: {  	_ =	shalt  }
0x5a: {  	_ =	shalt  }
0x5b: {  	_ =	shalt  }
0x5c: {  	_ =	shalt  }
0x5d: {  	_ =	shalt  }
0x5e: {  	_ =	shalt  }
0x5f: {  	_ =	shalt  }
0x60: {  	_ =	shalt  }
0x61: {  	_ =	shalt  }
0x62: {  	_ =	shalt  }
0x63: {  	_ =	shalt  }
0x64: {  	_ =	shalt  }
0x65: {  	_ =	shalt  }
0x66: {  	_ =	shalt  }
0x67: {  	_ =	shalt  }
0x68: {  	_ =	shalt  }
0x69: {  	_ =	shalt  }
0x6a: {  	_ =	shalt  }
0x6b: {  	_ =	shalt  }
0x6c: {  	_ =	shalt  }
0x6d: {  	_ =	shalt  }
0x6e: {  	_ =	shalt  }
0x6f: {  	_ =	shalt  }
0x70: {  	_ =	shalt  }
0x71: {  	_ =	shalt  }
0x72: {  	_ =	shalt  }
0x73: {  	_ =	shalt  }
0x74: {  	_ =	shalt  }
0x75: {  	_ =	shalt  }
0x76: {  	_ =	shalt  }
0x77: {  	_ =	shalt  }
0x78: {  	_ =	shalt  }
0x79: {  	_ =	shalt  }
0x7a: {  	_ =	shalt  }
0x7b: {  	_ =	shalt  }
0x7c: {  	_ =	shalt  }
0x7d: {  	_ =	shalt  }
0x7e: {  	_ =	shalt  }
0x7f: {  	_ =	shalt  }
0x80: {  	_ =	shalt  }
0x81: {  	_ =	shalt  }
0x82: {  	_ =	shalt  }
0x83: {  	_ =	shalt  }
0x84: {  	_ =	shalt  }
0x85: {  	_ =	shalt  }
0x86: {  	_ =	shalt  }
0x87: {  	_ =	shalt  }
.Lfunc_end0:
.L_simem_size_0:
called_computation.1_lowered:
.L_overlay_start_0:
0x88: {  	s2 =	sld [smem:$0x3FD9]  }
0x89: {  	s3 =	sld [smem:$0x3FFE];
	_ =	sdelay $0x1  }
0x8a: {  	s1 =	srdreg.scid  }
0x8b: {  	s0 =	sand.u32 $0x1, s1  }
0x8c: {  	s14 =	sshll.u32 s0, $0xA;
	s2 =	sadd.s32 s3, s2  }
0x8d: {  	s2 =	sadd.s32 s2, s14  }
0x8e: {  	[smem:$0x3FC3] =	sst s2  }
0x8f: {  	_ = 	snop  }
0x90: {  	s2 =	sld [smem:$0x3FD0];
	_ =	sdelay $0x2  }
0x91: {  	s15 =	simm.s32 $0xA;
	s4 =	simm.s32 $0x10  }
0x92: {  	[smem:s4], [sflag:s15] =	dma.local [hbm:s2], $0x1  }
0x93: {  	_ =	swait.eq [sflag:s15], $0x1  }
0x94: {  	[sflag:s15] =	ssyncset.done $0x0  }
0x95: {  	[sflag:s15] =	ssyncadd.s32 $0xFFFFFFFF  }
0x96: {  	s16 =	sld [smem:$0x10];
	(tm) =	ssettm $0x1  }
0x97: {  	s17 =	sld [smem:$0x3FFB];
	_ =	sdelay $0x3  }
0x98: {  	_ =	strace s17  }
0x99: {  	s3 =	sld [smem:$0x3FFC];
	_ =	sdelay $0x3  }
0x9a: {  	_ =	strace s3  }
0x9b: {  	s3 =	sld [smem:$0x3FFD];
	_ =	sdelay $0x3  }
0x9c: {  	_ =	strace s3  }
0x9d: {  	_ =	strace $0x8FFFFFFF  }
0x9e: {  	s18 =	sld [smem:$0x3FDB];
	_ =	sdelay $0x1  }
0x9f: {  	s19 =	simm.s32 $_scs_section_size  }
0xa0: {  	s5 =	simm.s32 $_size__tile_overlayer_lowered;
	s6 =	simm.s32 $_tile_overlayer_lowered  }
0xa1: {  	s22 =	simm.s32 $0x1BFF;
	s21 =	sshll.u32 s6, $0x1;
	s3 =	sadd.s32 s19, s18  }
0xa2: {  	s7 =	simm.s32 $0x0;
	s20 =	sshll.u32 s5, $0x1;
	s5 =	sadd.s32 s21, s3  }
0xa3: {  	[timem:s7], [sflag:s22] =	dma.local [hbm:s5], s20  }
0xa4: {  	_ =	swait.ge [sflag:s22], s20  }
0xa5: {  	s4 =	ssub.s32 $0x0, s20;
	[sflag:s22] =	ssyncset.done $0x0  }
0xa6: {  	[sflag:s22] =	ssyncadd.s32 s4;
	_ =	sdelay $0x1  }
0xa7: {  	s23 =	simm.s32 $0x1B8B  }
0xa8: {  	_ =	swait.ge [sflag:s23], $0x1  }
0xa9: {  	[sflag:s23] =	ssyncset.done $0x0  }
0xaa: {  	s25 =	simm.s32 $0x1B8E;
	s24 =	sld [smem:$0x3FFE];
	[sflag:s23] =	ssyncadd.s32 $0xFFFFFFFF  }
0xab: {  	s26 =	simm.s32 $execute0_lowered;
	[smem:$0x3FD2] =	sst s25  }
0xac: {  	s5 =	sshll.u32 s26, $0x1;
	_ =	strace $0x80000049;
	[dreg:$0x1] =	wrdreg $0xFFFFFFFF  }
0xad: {  	s28 =	simm.s32 $_size_execute0_lowered;
	s3 =	sadd.s32 s3, s5;
	[dreg:$0x0] =	wrdreg $0x0  }
0xae: {  	s5 =	sshll.u32 s28, $0x1;
	[dreg:$0x2] =	wrdreg s3  }
0xaf: {  	[dreg:$0x3] =	wrdreg s5  }
0xb0: {  	[dreg:$0x4] =	wrdreg $0xC0  }
0xb1: {  	_ =	task [dreg:s7], $0x5FFFF  }
0xb2: {  	[dreg:$0x1] =	wrdreg $0xFFFFFFFF  }
0xb3: {  	[dreg:$0x0] =	wrdreg $0x60  }
0xb4: {  	[dreg:$0x2] =	wrdreg s24  }
0xb5: {  	[dreg:$0x3] =	wrdreg s16  }
0xb6: {  	[dreg:$0x4] =	wrdreg $0x9  }
0xb7: {  	_ =	task.clear_ibuf [dreg:s7], $0x5FFFF;
	_ =	strace $0x90000049  }
0xb8: {  	s29 =	simm.s32 $0x9;
	_ =	strace $0x8000004B  }
0xb9: {  	_ =	swait.ge [sflag:s29], $0x1  }
0xba: {  	[sflag:s29] =	ssyncadd.s32 $0xFFFFFFFF  }
0xbb: {  	_ =	strace $0x9000004B  }
0xbc: {  	_ =	sfence  }
0xbd: {  	s30 =	sld [smem:$0x0];
	_ =	sdelay $0x2  }
0xbe: {  	s31 =	sshll.u32 s1, $0xD;
	s1 =	sshrl.u32 s1, $0x2  }
0xbf: {  	s3 =	sand.u32 $0x4000, s31;
	s1 =	sadd.s32 s1, s30  }
0xc0: {  	s0 =	sor.u32 s3, s0;
	s1 =	sshll.u32 s1, $0x11  }
0xc1: {  	s0 =	sor.u32 s1, s0  }
0xc2: {  	s0 =	sadd.s32 $0x8F2B, s0  }
0xc3: {  	[sflag:s0] =	ssyncadd.remote.s32 $0x1  }
0xc4: {  	_ =	sfence.sel $0xFFFF  }
0xc5: {  	[dreg:$0x0] =	wrdreg $0xFFFFFFFF;
	(pc) =	sbr.abs _section_cstart, $3  }
0xc6: {  	[dreg:$0x1] =	wrdreg $0xFFFFFFFF  }
0xc7: {  	_ =	task.clear_ibuf [dreg:s7], $0x2FFFF;
	_ =	strace $0x9FFFFFFF  }
0xc8: {  	(tm) =	ssettm $0x7FFFFFFF  }
0xc9: {  	_ =	shalt  }
tec
execute0_lowered:
.L_overlay_start_1:
0x0: {  	(tag) =	ssettag $0x1  }
0x1: {  	s0 =	srdreg.scid;
	s1 =	rddreg [dreg:$0x0]  }
0x2: {  	s2 =	stileid.u32;
	s5 =	rddreg [dreg:$0x1];
	s18 =	simm.s32 $0x1  }
0x3: {  	s20 =	simm.s32 $0x880;
	s21 =	simm.s32 $0x1080;
	s22 =	simm.s32 $0x1880  }
0x4: {  	s28 =	simm.s32 $0x4080;
	s29 =	simm.s32 $0x4880;
	s30 =	simm.s32 $0x5080  }
0x5: {  	s31 =	simm.s32 $0x5880;
	s10 =	simm.s32 $0x7080;
	s11 =	simm.s32 $0x7880  }
0x6: {  	s12 =	simm.s32 $0x8080;
	s13 =	simm.s32 $0x8880;
	s14 =	simm.s32 $0x9080  }
0x7: {  	s15 =	simm.s32 $0x9880;
	s16 =	simm.s32 $0xA080;
	s17 =	simm.s32 $0xA880  }
0x8: {  	s0 =	sand.u32 $0x1, s0;
	s3 =	sshll.u32 s2, $0x7;
	s2 =	simm.s32 $0x0  }
0x9: {  	s4 =	sshll.u32 s0, $0x6;
	[smem:$0x7FF] =	sst s2;
	s0 =	ssub.s32 $0x2, s0  }
0xa: {  	s4 =	sor.u32 s4, s3;
	_ =	strace $0x8000004A;
	s23 =	sshrl.u32 s0, $0x1  }
0xb: {  	s3 =	sshrl.u32 s4, $0x3;
	s7 =	sshll.u32 s4, $0x7;
	s0 =	ssub.s32 s0, s23  }
0xc: {  	s4 =	sadd.s32 $0xC0B00, s1;
	s23 =	simm.s32 $0x2080;
	s6 =	sadd.s32 s3, s1  }
0xd: {  	s3 =	sadd.s32 $0xC0A00, s1;
	s8 =	sadd.s32 s7, s1;
	s7 =	sadd.s32 s5, s7  }
0xe: {  	s5 =	sadd.s32 $0xC0C00, s1;
	s24 =	sadd.s32 $0x800, s6;
	[dreg:$0x4] =	wrdreg s7  }
0xf: {  	s25 =	sadd.s32 $0x600, s6;
	s6 =	sadd.s32 $0xC0D00, s1;
	[dreg:$0x3] =	wrdreg s24  }
0x10: {  	v2 =	vlaneseq.u32;
	s26 =	sadd.s32 $0xA00, s8;
	s7 =	smax.u32 s0, $0x1;
	[dreg:$0x5] =	wrdreg s25  }
0x11: {  	vm0 =	vmmov $0xffff;
	v1 =	vshrl.u32 v2, $0x3;
	s8 =	simm.s32 $0x2;
	s0 =	simm.s32 $0x80;
	[dreg:$0x6] =	wrdreg s26  }
0x12: {  	v0 =	vand.u32 $0x7, v2;
	v2 =	vor.u32 $0x8, v2;
	v1 =	vmul.u32 $0x8, v1;
	s24 =	simm.s32 $0x2880;
	s25 =	simm.s32 $0x3080;
	s26 =	simm.s32 $0x3880  }
.LBB2_1:
0x13: {  	s19 =	rddreg [dreg:$0x3]  }
0x14: {  	[tilespmem:s2], [sflag:$0x2] =	stream.linear.gather [hbm4b:s19+s2], $0x40, $0x38;
	[tilespmem:$0x10080] =	vst v63  }
0x15: {  	_ =	swait.ge [sflag:s8], $0x40  }
0x16: {  	[sflag:s8] =	ssyncset.done $0x0  }
0x17: {  	[sflag:s8] =	ssyncadd.s32 $0xFFFFFFC0  }
0x18: {  	v3 =	vld [tilespmem:$0x0];
	_ =	sdelay $0x4  }
0x19: {  	v4 =	vshll.u32 v3, $0x3  }
0x1a: {  	v3 =	vand.u32 $0x7, v3;
	v4 =	vand.u32 $0xFFFFFFC0, v4  }
0x1b: {  	v3 =	vor.u32 v3, v4  }
0x1c: {  	v4 =	vperm.xlane v3, v0;
	_ =	sdelay $0x1  }
0x1d: {  	v4 =	vadd.s32 v1, v4;
	_ =	sdelay $0x4  }
0x1e: {  	[tilespmem:s0], [sflag:$0x1] =	stream.indirect_vreg.gather [hbm4b:s3+s2], $0x80, v4, vm0, $0xb8;
	[tilespmem:$0x10080] =	vst v63  }
0x1f: {  	v3 =	vperm.xlane v3, v2  }
0x20: {  	[tilespmem:s20], [sflag:$0x1] =	stream.indirect_vreg.gather [hbm4b:s4+s2], $0x80, v4, vm0, $0xb8;
	[tilespmem:$0x10080] =	vst v63  }
0x21: {  	v3 =	vadd.s32 v1, v3  }
0x22: {  	[tilespmem:s21], [sflag:$0x1] =	stream.indirect_vreg.gather [hbm4b:s5+s2], $0x80, v4, vm0, $0xb8;
	[tilespmem:$0x10080] =	vst v63  }
0x23: {  	_ = 	snop  }
0x24: {  	[tilespmem:s22], [sflag:$0x1] =	stream.indirect_vreg.gather [hbm4b:s6+s2], $0x80, v4, vm0, $0xb8;
	[tilespmem:$0x10080] =	vst v63  }
0x25: {  	_ = 	snop  }
0x26: {  	[tilespmem:s23], [sflag:$0x1] =	stream.indirect_vreg.gather [hbm4b:s3+s2], $0x80, v3, vm0, $0xb8;
	[tilespmem:$0x10080] =	vst v63  }
0x27: {  	_ = 	snop  }
0x28: {  	[tilespmem:s24], [sflag:$0x1] =	stream.indirect_vreg.gather [hbm4b:s4+s2], $0x80, v3, vm0, $0xb8;
	[tilespmem:$0x10080] =	vst v63  }
0x29: {  	_ = 	snop  }
0x2a: {  	[tilespmem:s25], [sflag:$0x1] =	stream.indirect_vreg.gather [hbm4b:s5+s2], $0x80, v3, vm0, $0xb8;
	[tilespmem:$0x10080] =	vst v63  }
0x2b: {  	_ = 	snop  }
0x2c: {  	[tilespmem:s26], [sflag:$0x1] =	stream.indirect_vreg.gather [hbm4b:s6+s2], $0x80, v3, vm0, $0xb8;
	[tilespmem:$0x10080] =	vst v63  }
0x2d: {  	v3 =	vld [tilespmem:$0x10];
	_ =	sdelay $0x4  }
0x2e: {  	v57 =	vshll.u32 v3, $0x3  }
0x2f: {  	v3 =	vand.u32 $0x7, v3;
	v4 =	vand.u32 $0xFFFFFFC0, v57  }
0x30: {  	v3 =	vor.u32 v3, v4  }
0x31: {  	v4 =	vperm.xlane v3, v0;
	_ =	sdelay $0x1  }
0x32: {  	v4 =	vadd.s32 v1, v4;
	_ =	sdelay $0x4  }
0x33: {  	[tilespmem:s28], [sflag:$0x1] =	stream.indirect_vreg.gather [hbm4b:s3+s2], $0x80, v4, vm0, $0xb8;
	[tilespmem:$0x10080] =	vst v63  }
0x34: {  	v3 =	vperm.xlane v3, v2  }
0x35: {  	[tilespmem:s29], [sflag:$0x1] =	stream.indirect_vreg.gather [hbm4b:s4+s2], $0x80, v4, vm0, $0xb8;
	[tilespmem:$0x10080] =	vst v63  }
0x36: {  	v3 =	vadd.s32 v1, v3  }
0x37: {  	[tilespmem:s30], [sflag:$0x1] =	stream.indirect_vreg.gather [hbm4b:s5+s2], $0x80, v4, vm0, $0xb8;
	[tilespmem:$0x10080] =	vst v63  }
0x38: {  	_ = 	snop  }
0x39: {  	[tilespmem:s31], [sflag:$0x1] =	stream.indirect_vreg.gather [hbm4b:s6+s2], $0x80, v4, vm0, $0xb8;
	[tilespmem:$0x10080] =	vst v63  }
0x3a: {  	s1 =	simm.s32 $0x6080  }
0x3b: {  	[tilespmem:s1], [sflag:$0x1] =	stream.indirect_vreg.gather [hbm4b:s3+s2], $0x80, v3, vm0, $0xb8;
	[tilespmem:$0x10080] =	vst v63  }
0x3c: {  	s9 =	simm.s32 $0x6880  }
0x3d: {  	[tilespmem:s9], [sflag:$0x1] =	stream.indirect_vreg.gather [hbm4b:s4+s2], $0x80, v3, vm0, $0xb8;
	[tilespmem:$0x10080] =	vst v63  }
0x3e: {  	_ = 	snop  }
0x3f: {  	[tilespmem:s10], [sflag:$0x1] =	stream.indirect_vreg.gather [hbm4b:s5+s2], $0x80, v3, vm0, $0xb8;
	[tilespmem:$0x10080] =	vst v63  }
0x40: {  	_ = 	snop  }
0x41: {  	[tilespmem:s11], [sflag:$0x1] =	stream.indirect_vreg.gather [hbm4b:s6+s2], $0x80, v3, vm0, $0xb8;
	[tilespmem:$0x10080] =	vst v63  }
0x42: {  	v3 =	vld [tilespmem:$0x20];
	_ =	sdelay $0x4  }
0x43: {  	v58 =	vshll.u32 v3, $0x3  }
0x44: {  	v3 =	vand.u32 $0x7, v3;
	v4 =	vand.u32 $0xFFFFFFC0, v58  }
0x45: {  	v3 =	vor.u32 v3, v4  }
0x46: {  	v4 =	vperm.xlane v3, v0;
	_ =	sdelay $0x1  }
0x47: {  	v4 =	vadd.s32 v1, v4;
	_ =	sdelay $0x4  }
0x48: {  	[tilespmem:s12], [sflag:$0x1] =	stream.indirect_vreg.gather [hbm4b:s3+s2], $0x80, v4, vm0, $0xb8;
	[tilespmem:$0x10080] =	vst v63  }
0x49: {  	v3 =	vperm.xlane v3, v2  }
0x4a: {  	[tilespmem:s13], [sflag:$0x1] =	stream.indirect_vreg.gather [hbm4b:s4+s2], $0x80, v4, vm0, $0xb8;
	[tilespmem:$0x10080] =	vst v63  }
0x4b: {  	v3 =	vadd.s32 v1, v3  }
0x4c: {  	[tilespmem:s14], [sflag:$0x1] =	stream.indirect_vreg.gather [hbm4b:s5+s2], $0x80, v4, vm0, $0xb8;
	[tilespmem:$0x10080] =	vst v63  }
0x4d: {  	_ = 	snop  }
0x4e: {  	[tilespmem:s15], [sflag:$0x1] =	stream.indirect_vreg.gather [hbm4b:s6+s2], $0x80, v4, vm0, $0xb8;
	[tilespmem:$0x10080] =	vst v63  }
0x4f: {  	_ = 	snop  }
0x50: {  	[tilespmem:s16], [sflag:$0x1] =	stream.indirect_vreg.gather [hbm4b:s3+s2], $0x80, v3, vm0, $0xb8;
	[tilespmem:$0x10080] =	vst v63  }
0x51: {  	_ = 	snop  }
0x52: {  	[tilespmem:s17], [sflag:$0x1] =	stream.indirect_vreg.gather [hbm4b:s4+s2], $0x80, v3, vm0, $0xb8;
	[tilespmem:$0x10080] =	vst v63  }
0x53: {  	s9 =	simm.s32 $0xB080  }
0x54: {  	[tilespmem:s9], [sflag:$0x1] =	stream.indirect_vreg.gather [hbm4b:s5+s2], $0x80, v3, vm0, $0xb8;
	[tilespmem:$0x10080] =	vst v63  }
0x55: {  	s19 =	simm.s32 $0xB880  }
0x56: {  	[tilespmem:s19], [sflag:$0x1] =	stream.indirect_vreg.gather [hbm4b:s6+s2], $0x80, v3, vm0, $0xb8;
	[tilespmem:$0x10080] =	vst v63  }
0x57: {  	v3 =	vld [tilespmem:$0x30];
	_ =	sdelay $0x4  }
0x58: {  	v59 =	vshll.u32 v3, $0x3  }
0x59: {  	v3 =	vand.u32 $0x7, v3;
	v4 =	vand.u32 $0xFFFFFFC0, v59  }
0x5a: {  	v3 =	vor.u32 v3, v4  }
0x5b: {  	v4 =	vperm.xlane v3, v0;
	_ =	sdelay $0x1  }
0x5c: {  	v4 =	vadd.s32 v1, v4;
	_ =	sdelay $0x3  }
0x5d: {  	s19 =	simm.s32 $0xC080  }
0x5e: {  	[tilespmem:s19], [sflag:$0x1] =	stream.indirect_vreg.gather [hbm4b:s3+s2], $0x80, v4, vm0, $0xb8;
	[tilespmem:$0x10080] =	vst v63  }
0x5f: {  	v3 =	vperm.xlane v3, v2;
	s19 =	simm.s32 $0xC880  }
0x60: {  	[tilespmem:s19], [sflag:$0x1] =	stream.indirect_vreg.gather [hbm4b:s4+s2], $0x80, v4, vm0, $0xb8;
	[tilespmem:$0x10080] =	vst v63  }
0x61: {  	v3 =	vadd.s32 v1, v3;
	s19 =	simm.s32 $0xD080  }
0x62: {  	[tilespmem:s19], [sflag:$0x1] =	stream.indirect_vreg.gather [hbm4b:s5+s2], $0x80, v4, vm0, $0xb8;
	[tilespmem:$0x10080] =	vst v63  }
0x63: {  	s19 =	simm.s32 $0xD880  }
0x64: {  	[tilespmem:s19], [sflag:$0x1] =	stream.indirect_vreg.gather [hbm4b:s6+s2], $0x80, v4, vm0, $0xb8;
	[tilespmem:$0x10080] =	vst v63  }
0x65: {  	s19 =	simm.s32 $0xE080  }
0x66: {  	[tilespmem:s19], [sflag:$0x1] =	stream.indirect_vreg.gather [hbm4b:s3+s2], $0x80, v3, vm0, $0xb8;
	[tilespmem:$0x10080] =	vst v63  }
0x67: {  	s19 =	simm.s32 $0xE880  }
0x68: {  	[tilespmem:s19], [sflag:$0x1] =	stream.indirect_vreg.gather [hbm4b:s4+s2], $0x80, v3, vm0, $0xb8;
	[tilespmem:$0x10080] =	vst v63  }
0x69: {  	s19 =	simm.s32 $0xF080  }
0x6a: {  	[tilespmem:s19], [sflag:$0x1] =	stream.indirect_vreg.gather [hbm4b:s5+s2], $0x80, v3, vm0, $0xb8;
	[tilespmem:$0x10080] =	vst v63  }
0x6b: {  	s19 =	simm.s32 $0xF880  }
0x6c: {  	[tilespmem:s19], [sflag:$0x1] =	stream.indirect_vreg.gather [hbm4b:s6+s2], $0x80, v3, vm0, $0xb8;
	[tilespmem:$0x10080] =	vst v63  }
0x6d: {  	_ =	swait.ge [sflag:s18], $0x10000  }
0x6e: {  	[sflag:s18] =	ssyncset.done $0x0  }
0x6f: {  	s19 =	rddreg [dreg:$0x4];
	[sflag:s18] =	ssyncadd.s32 $0xFFFF0000  }
0x70: {  	[hbm4b:s19+s2] =	stream.linear.scatter [tilespmem:s0], [sflag:$0x2], $0x10000, $0x38;
	[tilespmem:$0x10080] =	vst v63  }
0x71: {  	_ =	swait.ge [sflag:s8], $0x10000  }
0x72: {  	[sflag:s8] =	ssyncset.done $0x0  }
0x73: {  	s19 =	rddreg [dreg:$0x5];
	[sflag:s8] =	ssyncadd.s32 $0xFFFF0000  }
0x74: {  	[tilespmem:s2], [sflag:$0x2] =	stream.linear.gather [hbm4b:s19+s2], $0x40, $0x38;
	[tilespmem:$0x10080] =	vst v63  }
0x75: {  	_ =	swait.ge [sflag:s8], $0x40  }
0x76: {  	[sflag:s8] =	ssyncset.done $0x0  }
0x77: {  	[sflag:s8] =	ssyncadd.s32 $0xFFFFFFC0  }
0x78: {  	v3 =	vld [tilespmem:$0x0];
	_ =	sdelay $0x4  }
0x79: {  	v60 =	vshll.u32 v3, $0x3  }
0x7a: {  	v3 =	vand.u32 $0x7, v3;
	v4 =	vand.u32 $0xFFFFFFC0, v60  }
0x7b: {  	v3 =	vor.u32 v3, v4  }
0x7c: {  	v4 =	vperm.xlane v3, v0;
	_ =	sdelay $0x1  }
0x7d: {  	v4 =	vadd.s32 v1, v4;
	_ =	sdelay $0x4  }
0x7e: {  	[tilespmem:s0], [sflag:$0x1] =	stream.indirect_vreg.gather [hbm4b:s3+s2], $0x80, v4, vm0, $0xb8;
	[tilespmem:$0x10080] =	vst v63  }
0x7f: {  	v3 =	vperm.xlane v3, v2  }
0x80: {  	[tilespmem:s20], [sflag:$0x1] =	stream.indirect_vreg.gather [hbm4b:s4+s2], $0x80, v4, vm0, $0xb8;
	[tilespmem:$0x10080] =	vst v63  }
0x81: {  	v3 =	vadd.s32 v1, v3  }
0x82: {  	[tilespmem:s21], [sflag:$0x1] =	stream.indirect_vreg.gather [hbm4b:s5+s2], $0x80, v4, vm0, $0xb8;
	[tilespmem:$0x10080] =	vst v63  }
0x83: {  	_ = 	snop  }
0x84: {  	[tilespmem:s22], [sflag:$0x1] =	stream.indirect_vreg.gather [hbm4b:s6+s2], $0x80, v4, vm0, $0xb8;
	[tilespmem:$0x10080] =	vst v63  }
0x85: {  	_ = 	snop  }
0x86: {  	[tilespmem:s23], [sflag:$0x1] =	stream.indirect_vreg.gather [hbm4b:s3+s2], $0x80, v3, vm0, $0xb8;
	[tilespmem:$0x10080] =	vst v63  }
0x87: {  	_ = 	snop  }
0x88: {  	[tilespmem:s24], [sflag:$0x1] =	stream.indirect_vreg.gather [hbm4b:s4+s2], $0x80, v3, vm0, $0xb8;
	[tilespmem:$0x10080] =	vst v63  }
0x89: {  	_ = 	snop  }
0x8a: {  	[tilespmem:s25], [sflag:$0x1] =	stream.indirect_vreg.gather [hbm4b:s5+s2], $0x80, v3, vm0, $0xb8;
	[tilespmem:$0x10080] =	vst v63  }
0x8b: {  	_ = 	snop  }
0x8c: {  	[tilespmem:s26], [sflag:$0x1] =	stream.indirect_vreg.gather [hbm4b:s6+s2], $0x80, v3, vm0, $0xb8;
	[tilespmem:$0x10080] =	vst v63  }
0x8d: {  	v3 =	vld [tilespmem:$0x10];
	_ =	sdelay $0x4  }
0x8e: {  	v61 =	vshll.u32 v3, $0x3  }
0x8f: {  	v3 =	vand.u32 $0x7, v3;
	v4 =	vand.u32 $0xFFFFFFC0, v61  }
0x90: {  	v3 =	vor.u32 v3, v4  }
0x91: {  	v4 =	vperm.xlane v3, v0;
	_ =	sdelay $0x1  }
0x92: {  	v4 =	vadd.s32 v1, v4;
	_ =	sdelay $0x4  }
0x93: {  	[tilespmem:s28], [sflag:$0x1] =	stream.indirect_vreg.gather [hbm4b:s3+s2], $0x80, v4, vm0, $0xb8;
	[tilespmem:$0x10080] =	vst v63  }
0x94: {  	v3 =	vperm.xlane v3, v2  }
0x95: {  	[tilespmem:s29], [sflag:$0x1] =	stream.indirect_vreg.gather [hbm4b:s4+s2], $0x80, v4, vm0, $0xb8;
	[tilespmem:$0x10080] =	vst v63  }
0x96: {  	v3 =	vadd.s32 v1, v3  }
0x97: {  	[tilespmem:s30], [sflag:$0x1] =	stream.indirect_vreg.gather [hbm4b:s5+s2], $0x80, v4, vm0, $0xb8;
	[tilespmem:$0x10080] =	vst v63  }
0x98: {  	_ = 	snop  }
0x99: {  	[tilespmem:s31], [sflag:$0x1] =	stream.indirect_vreg.gather [hbm4b:s6+s2], $0x80, v4, vm0, $0xb8;
	[tilespmem:$0x10080] =	vst v63  }
0x9a: {  	_ = 	snop  }
0x9b: {  	[tilespmem:s1], [sflag:$0x1] =	stream.indirect_vreg.gather [hbm4b:s3+s2], $0x80, v3, vm0, $0xb8;
	[tilespmem:$0x10080] =	vst v63  }
0x9c: {  	s19 =	simm.s32 $0x6880  }
0x9d: {  	[tilespmem:s19], [sflag:$0x1] =	stream.indirect_vreg.gather [hbm4b:s4+s2], $0x80, v3, vm0, $0xb8;
	[tilespmem:$0x10080] =	vst v63  }
0x9e: {  	_ = 	snop  }
0x9f: {  	[tilespmem:s10], [sflag:$0x1] =	stream.indirect_vreg.gather [hbm4b:s5+s2], $0x80, v3, vm0, $0xb8;
	[tilespmem:$0x10080] =	vst v63  }
0xa0: {  	_ = 	snop  }
0xa1: {  	[tilespmem:s11], [sflag:$0x1] =	stream.indirect_vreg.gather [hbm4b:s6+s2], $0x80, v3, vm0, $0xb8;
	[tilespmem:$0x10080] =	vst v63  }
0xa2: {  	v3 =	vld [tilespmem:$0x20];
	_ =	sdelay $0x4  }
0xa3: {  	v62 =	vshll.u32 v3, $0x3  }
0xa4: {  	v3 =	vand.u32 $0x7, v3;
	v4 =	vand.u32 $0xFFFFFFC0, v62  }
0xa5: {  	v3 =	vor.u32 v3, v4  }
0xa6: {  	v4 =	vperm.xlane v3, v0;
	_ =	sdelay $0x1  }
0xa7: {  	v4 =	vadd.s32 v1, v4;
	_ =	sdelay $0x4  }
0xa8: {  	[tilespmem:s12], [sflag:$0x1] =	stream.indirect_vreg.gather [hbm4b:s3+s2], $0x80, v4, vm0, $0xb8;
	[tilespmem:$0x10080] =	vst v63  }
0xa9: {  	v3 =	vperm.xlane v3, v2  }
0xaa: {  	[tilespmem:s13], [sflag:$0x1] =	stream.indirect_vreg.gather [hbm4b:s4+s2], $0x80, v4, vm0, $0xb8;
	[tilespmem:$0x10080] =	vst v63  }
0xab: {  	v3 =	vadd.s32 v1, v3  }
0xac: {  	[tilespmem:s14], [sflag:$0x1] =	stream.indirect_vreg.gather [hbm4b:s5+s2], $0x80, v4, vm0, $0xb8;
	[tilespmem:$0x10080] =	vst v63  }
0xad: {  	_ = 	snop  }
0xae: {  	[tilespmem:s15], [sflag:$0x1] =	stream.indirect_vreg.gather [hbm4b:s6+s2], $0x80, v4, vm0, $0xb8;
	[tilespmem:$0x10080] =	vst v63  }
0xaf: {  	_ = 	snop  }
0xb0: {  	[tilespmem:s16], [sflag:$0x1] =	stream.indirect_vreg.gather [hbm4b:s3+s2], $0x80, v3, vm0, $0xb8;
	[tilespmem:$0x10080] =	vst v63  }
0xb1: {  	_ = 	snop  }
0xb2: {  	[tilespmem:s17], [sflag:$0x1] =	stream.indirect_vreg.gather [hbm4b:s4+s2], $0x80, v3, vm0, $0xb8;
	[tilespmem:$0x10080] =	vst v63  }
0xb3: {  	_ = 	snop  }
0xb4: {  	[tilespmem:s9], [sflag:$0x1] =	stream.indirect_vreg.gather [hbm4b:s5+s2], $0x80, v3, vm0, $0xb8;
	[tilespmem:$0x10080] =	vst v63  }
0xb5: {  	s19 =	simm.s32 $0xB880  }
0xb6: {  	[tilespmem:s19], [sflag:$0x1] =	stream.indirect_vreg.gather [hbm4b:s6+s2], $0x80, v3, vm0, $0xb8;
	[tilespmem:$0x10080] =	vst v63  }
0xb7: {  	v3 =	vld [tilespmem:$0x30];
	_ =	sdelay $0x4  }
0xb8: {  	v63 =	vshll.u32 v3, $0x3  }
0xb9: {  	v3 =	vand.u32 $0x7, v3;
	v4 =	vand.u32 $0xFFFFFFC0, v63  }
0xba: {  	v3 =	vor.u32 v3, v4  }
0xbb: {  	v4 =	vperm.xlane v3, v0;
	_ =	sdelay $0x1  }
0xbc: {  	v4 =	vadd.s32 v1, v4;
	_ =	sdelay $0x3  }
0xbd: {  	s9 =	simm.s32 $0xC080  }
0xbe: {  	[tilespmem:s9], [sflag:$0x1] =	stream.indirect_vreg.gather [hbm4b:s3+s2], $0x80, v4, vm0, $0xb8;
	[tilespmem:$0x10080] =	vst v63  }
0xbf: {  	s19 =	simm.s32 $0xC880;
	v3 =	vperm.xlane v3, v2  }
0xc0: {  	[tilespmem:s19], [sflag:$0x1] =	stream.indirect_vreg.gather [hbm4b:s4+s2], $0x80, v4, vm0, $0xb8;
	[tilespmem:$0x10080] =	vst v63  }
0xc1: {  	v3 =	vadd.s32 v1, v3;
	s9 =	simm.s32 $0xD080  }
0xc2: {  	[tilespmem:s9], [sflag:$0x1] =	stream.indirect_vreg.gather [hbm4b:s5+s2], $0x80, v4, vm0, $0xb8;
	[tilespmem:$0x10080] =	vst v63  }
0xc3: {  	s19 =	simm.s32 $0xD880  }
0xc4: {  	[tilespmem:s19], [sflag:$0x1] =	stream.indirect_vreg.gather [hbm4b:s6+s2], $0x80, v4, vm0, $0xb8;
	[tilespmem:$0x10080] =	vst v63  }
0xc5: {  	s9 =	simm.s32 $0xE080  }
0xc6: {  	[tilespmem:s9], [sflag:$0x1] =	stream.indirect_vreg.gather [hbm4b:s3+s2], $0x80, v3, vm0, $0xb8;
	[tilespmem:$0x10080] =	vst v63  }
0xc7: {  	s19 =	simm.s32 $0xE880  }
0xc8: {  	[tilespmem:s19], [sflag:$0x1] =	stream.indirect_vreg.gather [hbm4b:s4+s2], $0x80, v3, vm0, $0xb8;
	[tilespmem:$0x10080] =	vst v63  }
0xc9: {  	s9 =	simm.s32 $0xF080  }
0xca: {  	[tilespmem:s9], [sflag:$0x1] =	stream.indirect_vreg.gather [hbm4b:s5+s2], $0x80, v3, vm0, $0xb8;
	[tilespmem:$0x10080] =	vst v63  }
0xcb: {  	s19 =	simm.s32 $0xF880  }
0xcc: {  	[tilespmem:s19], [sflag:$0x1] =	stream.indirect_vreg.gather [hbm4b:s6+s2], $0x80, v3, vm0, $0xb8;
	[tilespmem:$0x10080] =	vst v63  }
0xcd: {  	_ =	swait.ge [sflag:s18], $0x10000  }
0xce: {  	p0 =	sne.s32 s7, $0x1;
	[sflag:s18] =	ssyncset.done $0x0  }
.Ltmp0:
0xcf: {  	s9 =	rddreg [dreg:$0x6];
	[sflag:s18] =	ssyncadd.s32 $0xFFFF0000;
	(pc) =	sbr.rel @p0 .LBB2_1-.Ltmp0, $4  }
0xd0: {  	[hbm4b:s9+s2] =	stream.linear.scatter [tilespmem:s0], [sflag:$0x2], $0x10000, $0x38;
	[tilespmem:$0x10080] =	vst v63  }
0xd1: {  	_ =	swait.ge [sflag:s8], $0x10000  }
0xd2: {  	[sflag:s8] =	ssyncset.done $0x0  }
0xd3: {  	s7 =	sadd.s32 $0xFFFFFFFF, s7;
	[sflag:s8] =	ssyncadd.s32 $0xFFFF0000  }
0xd4: {  	_ =	sfence.sel $0x180000  }
0xd5: {  	[bflag:$0x0] =	sbarrier.arrive $0xFFFF  }
0xd6: {  	_ =	strace $0x9000004A  }
0xd7: {  	s0 =	stileid.u32;
	[bflag:$0x2] =	sbarrier.arrive $0xFFFF  }
0xd8: {  	p0 =	sne.s32 s0, $0x0;
	s0 =	rddreg [dreg:$0x2]  }
0xd9: {  	s0 =	sadd.s32 @!p0 $0x100000, s0  }
0xda: {  	[sflag:s0] =	ssyncadd.tile.s32 @!p0 $0x1;
	_ =	shalt  }
.Lfunc_end2:
_tile_overlayer_lowered:
.L_overlay_start_2:
0xdb: {  	(tag) =	ssettag $0x2  }
0xdc: {  	s0 =	rddreg [dreg:$0x0];
	s2 =	stileid.u32  }
0xdd: {  	s1 =	rddreg [dreg:$0x1];
	p0 =	sne.s32 s2, $0x0  }
0xde: {  	s3 =	rddreg [dreg:$0x2];
	[bflag:$0x3] =	sbarrier.arrive $0xFFFF;
	s2 =	simm.s32 @!p0 $0x1C02  }
0xdf: {  	[timem:s3], [sflag:s2] =	dma.local @!p0 [hbm:s0], s1  }
0xe0: {  	s0 =	simm.s32 @!p0 $0x2  }
0xe1: {  	_ =	swait.ge @!p0 [sflag:s0], s1  }
0xe2: {  	s1 =	ssub.s32 @!p0 $0x0, s1;
	[sflag:s0] =	ssyncset.done @!p0 $0x0  }
0xe3: {  	[sflag:s0] =	ssyncadd.s32 @!p0 s1  }
0xe4: {  	[bflag:$0x3] =	sbarrier.arrive $0xFFFF  }
0xe5: {  	_ =	shalt  }

// kernel: kernel.7.cloned.1.call-start
scs
__scs_entry_jumppad:
0x0: {  	(pc) =	sbr.rel $0x88, $3  }
0x1: {  	(tag) =	ssettag $0x0;
	lr =	simm.s32 $0x1  }
0x2: {  	[smem:$0x3F9C] =	sst lr;
	_ =	strace $0xD0000000  }
0x3: {  	_ = 	snop  }
0x4: {  	_ = 	snop  }
0x5: {  	_ = 	snop  }
0x6: {  	_ = 	snop  }
0x7: {  	_ = 	snop  }
__scs_overlays_trampoline_lowered:
0x8: {  	[smem:$0x3FAB] =	sst s0  }
0x9: {  	[smem:$0x3FAC] =	sst s1  }
0xa: {  	[smem:$0x3FAD] =	sst s2  }
0xb: {  	[smem:$0x3FAE] =	sst s3  }
0xc: {  	[smem:$0x3FAF] =	sst s4  }
0xd: {  	[smem:$0x3FB0] =	sst s5  }
0xe: {  	[smem:$0x3FB1] =	sst s6  }
0xf: {  	[smem:$0x3FB2] =	sst s7  }
0x10: {  	[smem:$0x3FB3] =	sst s8  }
0x11: {  	[smem:$0x3FB4] =	sst s9;
	s0 =	simm.s32 @!p0 $0x0  }
0x12: {  	s1 =	sld [smem:$0x3F9A];
	s0 =	simm.s32 @p0 $0x1  }
0x13: {  	[smem:$0x3FB5] =	sst s0;
	s0 =	simm.s32 @!p1 $0x0  }
0x14: {  	s2 =	sld [smem:$0x3F99];
	s0 =	simm.s32 @p1 $0x1  }
0x15: {  	[smem:$0x3FB6] =	sst s0;
	s0 =	simm.s32 @!p2 $0x0  }
0x16: {  	s3 =	sld [smem:$0x3FDB];
	s0 =	simm.s32 @p2 $0x1  }
0x17: {  	s4 =	simm.s32 $0x1BF5;
	[smem:$0x3FB8] =	sst s0  }
0x18: {  	s0 =	sld [smem:$0x3F9B];
	_ =	swait.ge [sflag:s4], $0x0  }
0x19: {  	s7 =	sld [smem:$0x3F9C]  }
0x1a: {  	s8 =	sadd.s32 $0xFFFFE003, lr  }
0x1b: {  	s9 =	sadd.s32 $0xFFFFFEF7, lr;
	s5 =	simm.s32 $0xFFFFFFFF;
	p2 =	slt.u32 s8, $0xFFFFF086  }
0x1c: {  	p1 =	slt.u32 s9, $0xF7A;
	s5 =	simm.s32 @!p2 $0x0  }
0x1d: {  	s5 =	simm.s32 @p1 $0x1;
	p0 =	seq.s32 s7, s2  }
0x1e: {  	s7 =	smul.u32 @!p0 $0xF7A, s2;
	p2 =	seq.s32 @!p0 s5, $0x0  }
0x1f: {  	s9 =	smul.u32 $0xF7A, s1;
	s8 =	simm.s32 @!p0 $0x1BF5;
	p2 =	por !p2, p0  }
0x20: {  	[sflag:s8] =	ssyncset.s32 @!p0 $0xFFFFF086;
	s6 =	sadd.s32 @!p0 s3, s7;
	s7 =	simm.s32 @!p0 $0x108  }
0x21: {  	s3 =	sadd.s32 s3, s9;
	s6 =	sadd.s32 @!p0 $0x88, s6;
	s7 =	simm.s32 @p2 $0x1082  }
0x22: {  	[simem:s7], [sflag:s8] =	dma.local @!p0 [hbm:s6], $0xF7A  }
0x23: {  	s9 =	sor.u32 $0xD0000000, s2;
	s6 =	simm.s32 $0x108;
	_ =	swait.ge @!p0 [sflag:s8], $0x0  }
0x24: {  	s3 =	sadd.s32 $0x88, s3;
	s6 =	simm.s32 @!p1 $0x1082;
	[sflag:s4] =	ssyncset.s32 $0xFFFFF086  }
0x25: {  	[simem:s6], [sflag:s4] =	dma.local [hbm:s3], $0xF7A  }
0x26: {  	[smem:$0x3F9C] =	sst s1;
	(tag) =	ssettag s2;
	_ =	strace s9  }
0x27: {  	s1 =	sld [smem:$0x3FAC]  }
0x28: {  	s2 =	sld [smem:$0x3FAD]  }
0x29: {  	s4 =	sld [smem:$0x3FAF]  }
0x2a: {  	p0 =	seq.s32 s5, $0x0;
	s5 =	sld [smem:$0x3FB0]  }
0x2b: {  	s6 =	sld [smem:$0x3FB1]  }
0x2c: {  	s7 =	sld [smem:$0x3FB2]  }
0x2d: {  	s3 =	simm.s32 $0x108;
	s8 =	sld [smem:$0x3FB3]  }
0x2e: {  	s3 =	simm.s32 @!p0 $0x1082;
	s9 =	sld [smem:$0x3FB4]  }
0x2f: {  	lr =	sadd.s32 s0, s3;
	s0 =	sld [smem:$0x3FAB]  }
0x30: {  	s3 =	sld [smem:$0x3FAE]  }
0x31: {  	[smem:$0x3FB7] =	sst s10  }
0x32: {  	s10 =	sld [smem:$0x3FB5];
	_ =	sdelay $0x3  }
0x33: {  	p0 =	seq.s32 s10, $0x1;
	s10 =	sld [smem:$0x3FB7];
	_ =	sdelay $0x3  }
0x34: {  	[smem:$0x3FB7] =	sst s10  }
0x35: {  	s10 =	sld [smem:$0x3FB6];
	_ =	sdelay $0x3  }
0x36: {  	p1 =	seq.s32 s10, $0x1;
	s10 =	sld [smem:$0x3FB7];
	_ =	sdelay $0x3  }
0x37: {  	[smem:$0x3FB7] =	sst s10  }
0x38: {  	s10 =	sld [smem:$0x3FB8]  }
0x39: {  	_ = 	snop;
	(pc) =	sbr.ind lr, $3  }
0x3a: {  	_ = 	snop  }
0x3b: {  	_ = 	snop  }
0x3c: {  	p2 =	seq.s32 s10, $0x1;
	s10 =	sld [smem:$0x3FB7]  }
0x3d: {  	_ =	shalt  }
0x3e: {  	_ =	shalt  }
0x3f: {  	_ =	shalt  }
0x40: {  	_ =	shalt  }
0x41: {  	_ =	shalt  }
0x42: {  	_ =	shalt  }
0x43: {  	_ =	shalt  }
0x44: {  	_ =	shalt  }
0x45: {  	_ =	shalt  }
0x46: {  	_ =	shalt  }
0x47: {  	_ =	shalt  }
0x48: {  	_ =	shalt  }
0x49: {  	_ =	shalt  }
0x4a: {  	_ =	shalt  }
0x4b: {  	_ =	shalt  }
0x4c: {  	_ =	shalt  }
0x4d: {  	_ =	shalt  }
0x4e: {  	_ =	shalt  }
0x4f: {  	_ =	shalt  }
0x50: {  	_ =	shalt  }
0x51: {  	_ =	shalt  }
0x52: {  	_ =	shalt  }
0x53: {  	_ =	shalt  }
0x54: {  	_ =	shalt  }
0x55: {  	_ =	shalt  }
0x56: {  	_ =	shalt  }
0x57: {  	_ =	shalt  }
0x58: {  	_ =	shalt  }
0x59: {  	_ =	shalt  }
0x5a: {  	_ =	shalt  }
0x5b: {  	_ =	shalt  }
0x5c: {  	_ =	shalt  }
0x5d: {  	_ =	shalt  }
0x5e: {  	_ =	shalt  }
0x5f: {  	_ =	shalt  }
0x60: {  	_ =	shalt  }
0x61: {  	_ =	shalt  }
0x62: {  	_ =	shalt  }
0x63: {  	_ =	shalt  }
0x64: {  	_ =	shalt  }
0x65: {  	_ =	shalt  }
0x66: {  	_ =	shalt  }
0x67: {  	_ =	shalt  }
0x68: {  	_ =	shalt  }
0x69: {  	_ =	shalt  }
0x6a: {  	_ =	shalt  }
0x6b: {  	_ =	shalt  }
0x6c: {  	_ =	shalt  }
0x6d: {  	_ =	shalt  }
0x6e: {  	_ =	shalt  }
0x6f: {  	_ =	shalt  }
0x70: {  	_ =	shalt  }
0x71: {  	_ =	shalt  }
0x72: {  	_ =	shalt  }
0x73: {  	_ =	shalt  }
0x74: {  	_ =	shalt  }
0x75: {  	_ =	shalt  }
0x76: {  	_ =	shalt  }
0x77: {  	_ =	shalt  }
0x78: {  	_ =	shalt  }
0x79: {  	_ =	shalt  }
0x7a: {  	_ =	shalt  }
0x7b: {  	_ =	shalt  }
0x7c: {  	_ =	shalt  }
0x7d: {  	_ =	shalt  }
0x7e: {  	_ =	shalt  }
0x7f: {  	_ =	shalt  }
0x80: {  	_ =	shalt  }
0x81: {  	_ =	shalt  }
0x82: {  	_ =	shalt  }
0x83: {  	_ =	shalt  }
0x84: {  	_ =	shalt  }
0x85: {  	_ =	shalt  }
0x86: {  	_ =	shalt  }
0x87: {  	_ =	shalt  }
.Lfunc_end0:
.L_simem_size_0:
called_computation_lowered:
.L_overlay_start_0:
0x88: {  	s2 =	sld [smem:$0x3FD9]  }
0x89: {  	s3 =	sld [smem:$0x3FFE];
	_ =	sdelay $0x1  }
0x8a: {  	s1 =	srdreg.scid  }
0x8b: {  	s0 =	sand.u32 $0x1, s1  }
0x8c: {  	s17 =	sshll.u32 s0, $0xA;
	s2 =	sadd.s32 s3, s2  }
0x8d: {  	s2 =	sadd.s32 s2, s17  }
0x8e: {  	[smem:$0x3FC3] =	sst s2  }
0x8f: {  	_ = 	snop  }
0x90: {  	s2 =	sld [smem:$0x3FC9];
	(tm) =	ssettm $0x1  }
0x91: {  	s18 =	sld [smem:$0x3FFB];
	_ =	sdelay $0x3  }
0x92: {  	_ =	strace s18  }
0x93: {  	s3 =	sld [smem:$0x3FFC];
	_ =	sdelay $0x3  }
0x94: {  	_ =	strace s3  }
0x95: {  	s3 =	sld [smem:$0x3FFD];
	_ =	sdelay $0x3  }
0x96: {  	_ =	strace s3  }
0x97: {  	_ =	strace $0x8FFFFFFF  }
0x98: {  	s19 =	sld [smem:$0x3FDB];
	_ =	sdelay $0x1  }
0x99: {  	s4 =	simm.s32 $_scs_section_size  }
0x9a: {  	s5 =	simm.s32 $_size__tile_overlayer_lowered;
	s6 =	simm.s32 $_tile_overlayer_lowered  }
0x9b: {  	s22 =	simm.s32 $0x1BFF;
	s21 =	sshll.u32 s6, $0x1;
	s3 =	sadd.s32 s4, s19  }
0x9c: {  	s7 =	simm.s32 $0x0;
	s20 =	sshll.u32 s5, $0x1;
	s5 =	sadd.s32 s21, s3  }
0x9d: {  	[timem:s7], [sflag:s22] =	dma.local [hbm:s5], s20  }
0x9e: {  	_ =	swait.ge [sflag:s22], s20  }
0x9f: {  	s4 =	ssub.s32 $0x0, s20;
	[sflag:s22] =	ssyncset.done $0x0  }
0xa0: {  	[sflag:s22] =	ssyncadd.s32 s4;
	_ =	sdelay $0x1  }
0xa1: {  	s23 =	simm.s32 $0x1B8B  }
0xa2: {  	_ =	swait.ge [sflag:s23], $0x1  }
0xa3: {  	[sflag:s23] =	ssyncset.done $0x0  }
0xa4: {  	s25 =	simm.s32 $0x1B8E;
	s24 =	sld [smem:$0x3FFE];
	[sflag:s23] =	ssyncadd.s32 $0xFFFFFFFF  }
0xa5: {  	s26 =	simm.s32 $execute0_lowered;
	[smem:$0x3FD2] =	sst s25  }
0xa6: {  	s5 =	sshll.u32 s26, $0x1;
	_ =	strace $0x80000046;
	[dreg:$0x1] =	wrdreg $0xFFFFFFFF  }
0xa7: {  	s28 =	simm.s32 $_size_execute0_lowered;
	s3 =	sadd.s32 s3, s5;
	[dreg:$0x0] =	wrdreg $0x0  }
0xa8: {  	s5 =	sshll.u32 s28, $0x1;
	[dreg:$0x2] =	wrdreg s3  }
0xa9: {  	[dreg:$0x3] =	wrdreg s5  }
0xaa: {  	[dreg:$0x4] =	wrdreg $0xC0  }
0xab: {  	_ =	task [dreg:s7], $0x5FFFF  }
0xac: {  	[dreg:$0x1] =	wrdreg $0xFFFFFFFF  }
0xad: {  	[dreg:$0x0] =	wrdreg $0x60  }
0xae: {  	[dreg:$0x2] =	wrdreg s24  }
0xaf: {  	[dreg:$0x3] =	wrdreg s2  }
0xb0: {  	[dreg:$0x4] =	wrdreg $0x9  }
0xb1: {  	_ =	task.clear_ibuf [dreg:s7], $0x5FFFF;
	_ =	strace $0x90000046  }
0xb2: {  	s29 =	simm.s32 $0x9;
	_ =	strace $0x80000048  }
0xb3: {  	_ =	swait.ge [sflag:s29], $0x1  }
0xb4: {  	[sflag:s29] =	ssyncadd.s32 $0xFFFFFFFF  }
0xb5: {  	_ =	strace $0x90000048  }
0xb6: {  	_ =	sfence  }
0xb7: {  	s30 =	sld [smem:$0x0];
	_ =	sdelay $0x2  }
0xb8: {  	s31 =	sshll.u32 s1, $0xD;
	s1 =	sshrl.u32 s1, $0x2  }
0xb9: {  	s3 =	sand.u32 $0x4000, s31;
	s1 =	sadd.s32 s1, s30  }
0xba: {  	s0 =	sor.u32 s3, s0;
	s1 =	sshll.u32 s1, $0x11  }
0xbb: {  	s0 =	sor.u32 s1, s0  }
0xbc: {  	s0 =	sadd.s32 $0x8F2B, s0  }
0xbd: {  	[sflag:s0] =	ssyncadd.remote.s32 $0x1  }
0xbe: {  	_ =	sfence.sel $0xFFFF  }
0xbf: {  	[dreg:$0x0] =	wrdreg $0xFFFFFFFF;
	(pc) =	sbr.abs _section_cstart, $3  }
0xc0: {  	[dreg:$0x1] =	wrdreg $0xFFFFFFFF  }
0xc1: {  	_ =	task.clear_ibuf [dreg:s7], $0x2FFFF;
	_ =	strace $0x9FFFFFFF  }
0xc2: {  	(tm) =	ssettm $0x7FFFFFFF  }
0xc3: {  	_ =	shalt  }
tec
execute0_lowered:
.L_overlay_start_1:
0x0: {  	(tag) =	ssettag $0x1  }
0x1: {  	s0 =	srdreg.scid  }
0x2: {  	s1 =	rddreg [dreg:$0x0];
	s2 =	stileid.u32  }
0x3: {  	s4 =	rddreg [dreg:$0x1];
	s26 =	simm.s32 $0x80;
	s8 =	simm.s32 $0x2  }
0x4: {  	s18 =	simm.s32 $0x100;
	s21 =	simm.s32 $0x1900;
	s22 =	simm.s32 $0x2100  }
0x5: {  	s23 =	simm.s32 $0x2900;
	s24 =	simm.s32 $0x3100;
	s28 =	simm.s32 $0x4900  }
0x6: {  	s29 =	simm.s32 $0x5100;
	s30 =	simm.s32 $0x5900;
	s31 =	simm.s32 $0x6100  }
0x7: {  	s10 =	simm.s32 $0x7900;
	s11 =	simm.s32 $0x8100;
	s12 =	simm.s32 $0x8900  }
0x8: {  	s13 =	simm.s32 $0x9100;
	s14 =	simm.s32 $0x9900;
	s15 =	simm.s32 $0xA100  }
0x9: {  	s16 =	simm.s32 $0xA900;
	s17 =	simm.s32 $0xB100;
	s9 =	simm.s32 $0xB900  }
0xa: {  	s0 =	sand.u32 $0x1, s0;
	s3 =	sshll.u32 s2, $0x7;
	s2 =	simm.s32 $0x0  }
0xb: {  	s5 =	sshll.u32 s0, $0x6;
	[smem:$0x7FF] =	sst s2;
	s0 =	ssub.s32 $0x2, s0  }
0xc: {  	s5 =	sor.u32 s5, s3;
	_ =	strace $0x80000047;
	s25 =	sshrl.u32 s0, $0x1  }
0xd: {  	[dreg:$0x6] =	wrdreg s26;
	s26 =	simm.s32 $0x4100;
	s3 =	sshrl.u32 s5, $0x3  }
0xe: {  	s5 =	sshll.u32 s5, $0x7;
	s0 =	ssub.s32 s0, s25;
	s25 =	simm.s32 $0x3900  }
0xf: {  	s6 =	sadd.s32 s3, s1;
	s3 =	sadd.s32 $0xA00, s1;
	s4 =	sadd.s32 s4, s5  }
0x10: {  	v2 =	vlaneseq.u32;
	s5 =	sadd.s32 $0xC00, s1;
	s7 =	sadd.s32 $0x800, s6;
	[dreg:$0x5] =	wrdreg s4  }
0x11: {  	vm0 =	vmmov $0xffff;
	v1 =	vshrl.u32 v2, $0x3;
	s6 =	sadd.s32 $0x600, s6;
	s4 =	sadd.s32 $0xB00, s1;
	[dreg:$0x3] =	wrdreg s7  }
0x12: {  	v0 =	vand.u32 $0x7, v2;
	v2 =	vor.u32 $0x8, v2;
	v1 =	vmul.u32 $0x8, v1;
	[dreg:$0x4] =	wrdreg s6;
	s6 =	sadd.s32 $0xD00, s1;
	s7 =	smax.u32 s0, $0x1  }
.LBB2_1:
0x13: {  	s19 =	rddreg [dreg:$0x3]  }
0x14: {  	[tilespmem:s2], [sflag:$0x2] =	stream.linear.gather [hbm4b:s19+s2], $0x40, $0x38;
	[tilespmem:$0x10100] =	vst v63  }
0x15: {  	_ =	swait.ge [sflag:s8], $0x40  }
0x16: {  	s0 =	rddreg [dreg:$0x4];
	[sflag:s8] =	ssyncset.done $0x0  }
0x17: {  	s20 =	rddreg [dreg:$0x6];
	[sflag:s8] =	ssyncadd.s32 $0xFFFFFFC0  }
0x18: {  	[tilespmem:s20], [sflag:$0x2] =	stream.linear.gather [hbm4b:s0+s2], $0x40, $0x38;
	[tilespmem:$0x10100] =	vst v63  }
0x19: {  	_ =	swait.ge [sflag:s8], $0x40  }
0x1a: {  	[sflag:s8] =	ssyncset.done $0x0  }
0x1b: {  	s1 =	rddreg [dreg:$0x5];
	[sflag:s8] =	ssyncadd.s32 $0xFFFFFFC0  }
0x1c: {  	[tilespmem:s18], [sflag:$0x2] =	stream.linear.gather [hbm4b:s1+s2], $0x10000, $0x38;
	[tilespmem:$0x10100] =	vst v63  }
0x1d: {  	_ =	swait.ge [sflag:s8], $0x10000  }
0x1e: {  	[sflag:s8] =	ssyncset.done $0x0  }
0x1f: {  	[sflag:s8] =	ssyncadd.s32 $0xFFFF0000  }
0x20: {  	v3 =	vld [tilespmem:$0x0];
	_ =	sdelay $0x4  }
0x21: {  	v4 =	vshll.u32 v3, $0x3  }
0x22: {  	v3 =	vand.u32 $0x7, v3;
	v4 =	vand.u32 $0xFFFFFFC0, v4  }
0x23: {  	v3 =	vor.u32 v3, v4  }
0x24: {  	v4 =	vperm.xlane v3, v0;
	_ =	sdelay $0x1  }
0x25: {  	v4 =	vadd.s32 v1, v4;
	_ =	sdelay $0x4  }
0x26: {  	[hbm4b:s3+s2] =	stream.indirect_vreg.scatter [tilespmem:s18], [sflag:$0x1], $0x80, v4, vm0, $0xb8;
	[tilespmem:$0x10100] =	vst v63  }
0x27: {  	s19 =	simm.s32 $0x900;
	v3 =	vperm.xlane v3, v2  }
0x28: {  	[hbm4b:s4+s2] =	stream.indirect_vreg.scatter [tilespmem:s19], [sflag:$0x1], $0x80, v4, vm0, $0xb8;
	[tilespmem:$0x10100] =	vst v63  }
0x29: {  	s20 =	simm.s32 $0x1100;
	v3 =	vadd.s32 v1, v3  }
0x2a: {  	[hbm4b:s5+s2] =	stream.indirect_vreg.scatter [tilespmem:s20], [sflag:$0x1], $0x80, v4, vm0, $0xb8;
	[tilespmem:$0x10100] =	vst v63  }
0x2b: {  	_ = 	snop  }
0x2c: {  	[hbm4b:s6+s2] =	stream.indirect_vreg.scatter [tilespmem:s21], [sflag:$0x1], $0x80, v4, vm0, $0xb8;
	[tilespmem:$0x10100] =	vst v63  }
0x2d: {  	_ = 	snop  }
0x2e: {  	[hbm4b:s3+s2] =	stream.indirect_vreg.scatter [tilespmem:s22], [sflag:$0x1], $0x80, v3, vm0, $0xb8;
	[tilespmem:$0x10100] =	vst v63  }
0x2f: {  	_ = 	snop  }
0x30: {  	[hbm4b:s4+s2] =	stream.indirect_vreg.scatter [tilespmem:s23], [sflag:$0x1], $0x80, v3, vm0, $0xb8;
	[tilespmem:$0x10100] =	vst v63  }
0x31: {  	_ = 	snop  }
0x32: {  	[hbm4b:s5+s2] =	stream.indirect_vreg.scatter [tilespmem:s24], [sflag:$0x1], $0x80, v3, vm0, $0xb8;
	[tilespmem:$0x10100] =	vst v63  }
0x33: {  	_ = 	snop  }
0x34: {  	[hbm4b:s6+s2] =	stream.indirect_vreg.scatter [tilespmem:s25], [sflag:$0x1], $0x80, v3, vm0, $0xb8;
	[tilespmem:$0x10100] =	vst v63  }
0x35: {  	v3 =	vld [tilespmem:$0x10];
	_ =	sdelay $0x4  }
0x36: {  	v57 =	vshll.u32 v3, $0x3  }
0x37: {  	v3 =	vand.u32 $0x7, v3;
	v4 =	vand.u32 $0xFFFFFFC0, v57  }
0x38: {  	v3 =	vor.u32 v3, v4  }
0x39: {  	v4 =	vperm.xlane v3, v0;
	_ =	sdelay $0x1  }
0x3a: {  	v4 =	vadd.s32 v1, v4;
	_ =	sdelay $0x4  }
0x3b: {  	[hbm4b:s3+s2] =	stream.indirect_vreg.scatter [tilespmem:s26], [sflag:$0x1], $0x80, v4, vm0, $0xb8;
	[tilespmem:$0x10100] =	vst v63  }
0x3c: {  	v3 =	vperm.xlane v3, v2  }
0x3d: {  	[hbm4b:s4+s2] =	stream.indirect_vreg.scatter [tilespmem:s28], [sflag:$0x1], $0x80, v4, vm0, $0xb8;
	[tilespmem:$0x10100] =	vst v63  }
0x3e: {  	v3 =	vadd.s32 v1, v3  }
0x3f: {  	[hbm4b:s5+s2] =	stream.indirect_vreg.scatter [tilespmem:s29], [sflag:$0x1], $0x80, v4, vm0, $0xb8;
	[tilespmem:$0x10100] =	vst v63  }
0x40: {  	_ = 	snop  }
0x41: {  	[hbm4b:s6+s2] =	stream.indirect_vreg.scatter [tilespmem:s30], [sflag:$0x1], $0x80, v4, vm0, $0xb8;
	[tilespmem:$0x10100] =	vst v63  }
0x42: {  	_ = 	snop  }
0x43: {  	[hbm4b:s3+s2] =	stream.indirect_vreg.scatter [tilespmem:s31], [sflag:$0x1], $0x80, v3, vm0, $0xb8;
	[tilespmem:$0x10100] =	vst v63  }
0x44: {  	s1 =	simm.s32 $0x6900  }
0x45: {  	[hbm4b:s4+s2] =	stream.indirect_vreg.scatter [tilespmem:s1], [sflag:$0x1], $0x80, v3, vm0, $0xb8;
	[tilespmem:$0x10100] =	vst v63  }
0x46: {  	s0 =	simm.s32 $0x7100  }
0x47: {  	[hbm4b:s5+s2] =	stream.indirect_vreg.scatter [tilespmem:s0], [sflag:$0x1], $0x80, v3, vm0, $0xb8;
	[tilespmem:$0x10100] =	vst v63  }
0x48: {  	_ = 	snop  }
0x49: {  	[hbm4b:s6+s2] =	stream.indirect_vreg.scatter [tilespmem:s10], [sflag:$0x1], $0x80, v3, vm0, $0xb8;
	[tilespmem:$0x10100] =	vst v63  }
0x4a: {  	v3 =	vld [tilespmem:$0x20];
	_ =	sdelay $0x4  }
0x4b: {  	v58 =	vshll.u32 v3, $0x3  }
0x4c: {  	v3 =	vand.u32 $0x7, v3;
	v4 =	vand.u32 $0xFFFFFFC0, v58  }
0x4d: {  	v3 =	vor.u32 v3, v4  }
0x4e: {  	v4 =	vperm.xlane v3, v0;
	_ =	sdelay $0x1  }
0x4f: {  	v4 =	vadd.s32 v1, v4;
	_ =	sdelay $0x4  }
0x50: {  	[hbm4b:s3+s2] =	stream.indirect_vreg.scatter [tilespmem:s11], [sflag:$0x1], $0x80, v4, vm0, $0xb8;
	[tilespmem:$0x10100] =	vst v63  }
0x51: {  	v3 =	vperm.xlane v3, v2  }
0x52: {  	[hbm4b:s4+s2] =	stream.indirect_vreg.scatter [tilespmem:s12], [sflag:$0x1], $0x80, v4, vm0, $0xb8;
	[tilespmem:$0x10100] =	vst v63  }
0x53: {  	v3 =	vadd.s32 v1, v3  }
0x54: {  	[hbm4b:s5+s2] =	stream.indirect_vreg.scatter [tilespmem:s13], [sflag:$0x1], $0x80, v4, vm0, $0xb8;
	[tilespmem:$0x10100] =	vst v63  }
0x55: {  	_ = 	snop  }
0x56: {  	[hbm4b:s6+s2] =	stream.indirect_vreg.scatter [tilespmem:s14], [sflag:$0x1], $0x80, v4, vm0, $0xb8;
	[tilespmem:$0x10100] =	vst v63  }
0x57: {  	_ = 	snop  }
0x58: {  	[hbm4b:s3+s2] =	stream.indirect_vreg.scatter [tilespmem:s15], [sflag:$0x1], $0x80, v3, vm0, $0xb8;
	[tilespmem:$0x10100] =	vst v63  }
0x59: {  	_ = 	snop  }
0x5a: {  	[hbm4b:s4+s2] =	stream.indirect_vreg.scatter [tilespmem:s16], [sflag:$0x1], $0x80, v3, vm0, $0xb8;
	[tilespmem:$0x10100] =	vst v63  }
0x5b: {  	_ = 	snop  }
0x5c: {  	[hbm4b:s5+s2] =	stream.indirect_vreg.scatter [tilespmem:s17], [sflag:$0x1], $0x80, v3, vm0, $0xb8;
	[tilespmem:$0x10100] =	vst v63  }
0x5d: {  	_ = 	snop  }
0x5e: {  	[hbm4b:s6+s2] =	stream.indirect_vreg.scatter [tilespmem:s9], [sflag:$0x1], $0x80, v3, vm0, $0xb8;
	[tilespmem:$0x10100] =	vst v63  }
0x5f: {  	v3 =	vld [tilespmem:$0x30];
	_ =	sdelay $0x4  }
0x60: {  	v59 =	vshll.u32 v3, $0x3  }
0x61: {  	v3 =	vand.u32 $0x7, v3;
	v4 =	vand.u32 $0xFFFFFFC0, v59  }
0x62: {  	v3 =	vor.u32 v3, v4  }
0x63: {  	v4 =	vperm.xlane v3, v0;
	_ =	sdelay $0x1  }
0x64: {  	v4 =	vadd.s32 v1, v4;
	_ =	sdelay $0x3  }
0x65: {  	s0 =	simm.s32 $0xC100  }
0x66: {  	[hbm4b:s3+s2] =	stream.indirect_vreg.scatter [tilespmem:s0], [sflag:$0x1], $0x80, v4, vm0, $0xb8;
	[tilespmem:$0x10100] =	vst v63  }
0x67: {  	v3 =	vperm.xlane v3, v2;
	s0 =	simm.s32 $0xC900  }
0x68: {  	[hbm4b:s4+s2] =	stream.indirect_vreg.scatter [tilespmem:s0], [sflag:$0x1], $0x80, v4, vm0, $0xb8;
	[tilespmem:$0x10100] =	vst v63  }
0x69: {  	v3 =	vadd.s32 v1, v3;
	s0 =	simm.s32 $0xD100  }
0x6a: {  	[hbm4b:s5+s2] =	stream.indirect_vreg.scatter [tilespmem:s0], [sflag:$0x1], $0x80, v4, vm0, $0xb8;
	[tilespmem:$0x10100] =	vst v63  }
0x6b: {  	s0 =	simm.s32 $0xD900  }
0x6c: {  	[hbm4b:s6+s2] =	stream.indirect_vreg.scatter [tilespmem:s0], [sflag:$0x1], $0x80, v4, vm0, $0xb8;
	[tilespmem:$0x10100] =	vst v63  }
0x6d: {  	s0 =	simm.s32 $0xE100  }
0x6e: {  	[hbm4b:s3+s2] =	stream.indirect_vreg.scatter [tilespmem:s0], [sflag:$0x1], $0x80, v3, vm0, $0xb8;
	[tilespmem:$0x10100] =	vst v63  }
0x6f: {  	s0 =	simm.s32 $0xE900  }
0x70: {  	[hbm4b:s4+s2] =	stream.indirect_vreg.scatter [tilespmem:s0], [sflag:$0x1], $0x80, v3, vm0, $0xb8;
	[tilespmem:$0x10100] =	vst v63  }
0x71: {  	s0 =	simm.s32 $0xF100  }
0x72: {  	[hbm4b:s5+s2] =	stream.indirect_vreg.scatter [tilespmem:s0], [sflag:$0x1], $0x80, v3, vm0, $0xb8;
	[tilespmem:$0x10100] =	vst v63  }
0x73: {  	s0 =	simm.s32 $0xF900  }
0x74: {  	[hbm4b:s6+s2] =	stream.indirect_vreg.scatter [tilespmem:s0], [sflag:$0x1], $0x80, v3, vm0, $0xb8;
	[tilespmem:$0x10100] =	vst v63  }
0x75: {  	v3 =	vld [tilespmem:$0x80];
	_ =	sdelay $0x4  }
0x76: {  	v60 =	vshll.u32 v3, $0x3  }
0x77: {  	v3 =	vand.u32 $0x7, v3;
	v4 =	vand.u32 $0xFFFFFFC0, v60  }
0x78: {  	v3 =	vor.u32 v3, v4  }
0x79: {  	v4 =	vperm.xlane v3, v0;
	_ =	sdelay $0x1  }
0x7a: {  	v4 =	vadd.s32 v1, v4;
	_ =	sdelay $0x4  }
0x7b: {  	[hbm4b:s3+s2] =	stream.indirect_vreg.scatter [tilespmem:s18], [sflag:$0x1], $0x80, v4, vm0, $0xb8;
	[tilespmem:$0x10100] =	vst v63  }
0x7c: {  	v3 =	vperm.xlane v3, v2  }
0x7d: {  	[hbm4b:s4+s2] =	stream.indirect_vreg.scatter [tilespmem:s19], [sflag:$0x1], $0x80, v4, vm0, $0xb8;
	[tilespmem:$0x10100] =	vst v63  }
0x7e: {  	v3 =	vadd.s32 v1, v3  }
0x7f: {  	[hbm4b:s5+s2] =	stream.indirect_vreg.scatter [tilespmem:s20], [sflag:$0x1], $0x80, v4, vm0, $0xb8;
	[tilespmem:$0x10100] =	vst v63  }
0x80: {  	_ = 	snop  }
0x81: {  	[hbm4b:s6+s2] =	stream.indirect_vreg.scatter [tilespmem:s21], [sflag:$0x1], $0x80, v4, vm0, $0xb8;
	[tilespmem:$0x10100] =	vst v63  }
0x82: {  	_ = 	snop  }
0x83: {  	[hbm4b:s3+s2] =	stream.indirect_vreg.scatter [tilespmem:s22], [sflag:$0x1], $0x80, v3, vm0, $0xb8;
	[tilespmem:$0x10100] =	vst v63  }
0x84: {  	_ = 	snop  }
0x85: {  	[hbm4b:s4+s2] =	stream.indirect_vreg.scatter [tilespmem:s23], [sflag:$0x1], $0x80, v3, vm0, $0xb8;
	[tilespmem:$0x10100] =	vst v63  }
0x86: {  	_ = 	snop  }
0x87: {  	[hbm4b:s5+s2] =	stream.indirect_vreg.scatter [tilespmem:s24], [sflag:$0x1], $0x80, v3, vm0, $0xb8;
	[tilespmem:$0x10100] =	vst v63  }
0x88: {  	_ = 	snop  }
0x89: {  	[hbm4b:s6+s2] =	stream.indirect_vreg.scatter [tilespmem:s25], [sflag:$0x1], $0x80, v3, vm0, $0xb8;
	[tilespmem:$0x10100] =	vst v63  }
0x8a: {  	v3 =	vld [tilespmem:$0x90];
	_ =	sdelay $0x4  }
0x8b: {  	v61 =	vshll.u32 v3, $0x3  }
0x8c: {  	v3 =	vand.u32 $0x7, v3;
	v4 =	vand.u32 $0xFFFFFFC0, v61  }
0x8d: {  	v3 =	vor.u32 v3, v4  }
0x8e: {  	v4 =	vperm.xlane v3, v0;
	_ =	sdelay $0x1  }
0x8f: {  	v4 =	vadd.s32 v1, v4;
	_ =	sdelay $0x4  }
0x90: {  	[hbm4b:s3+s2] =	stream.indirect_vreg.scatter [tilespmem:s26], [sflag:$0x1], $0x80, v4, vm0, $0xb8;
	[tilespmem:$0x10100] =	vst v63  }
0x91: {  	v3 =	vperm.xlane v3, v2  }
0x92: {  	[hbm4b:s4+s2] =	stream.indirect_vreg.scatter [tilespmem:s28], [sflag:$0x1], $0x80, v4, vm0, $0xb8;
	[tilespmem:$0x10100] =	vst v63  }
0x93: {  	v3 =	vadd.s32 v1, v3  }
0x94: {  	[hbm4b:s5+s2] =	stream.indirect_vreg.scatter [tilespmem:s29], [sflag:$0x1], $0x80, v4, vm0, $0xb8;
	[tilespmem:$0x10100] =	vst v63  }
0x95: {  	_ = 	snop  }
0x96: {  	[hbm4b:s6+s2] =	stream.indirect_vreg.scatter [tilespmem:s30], [sflag:$0x1], $0x80, v4, vm0, $0xb8;
	[tilespmem:$0x10100] =	vst v63  }
0x97: {  	_ = 	snop  }
0x98: {  	[hbm4b:s3+s2] =	stream.indirect_vreg.scatter [tilespmem:s31], [sflag:$0x1], $0x80, v3, vm0, $0xb8;
	[tilespmem:$0x10100] =	vst v63  }
0x99: {  	_ = 	snop  }
0x9a: {  	[hbm4b:s4+s2] =	stream.indirect_vreg.scatter [tilespmem:s1], [sflag:$0x1], $0x80, v3, vm0, $0xb8;
	[tilespmem:$0x10100] =	vst v63  }
0x9b: {  	s20 =	simm.s32 $0x7100  }
0x9c: {  	[hbm4b:s5+s2] =	stream.indirect_vreg.scatter [tilespmem:s20], [sflag:$0x1], $0x80, v3, vm0, $0xb8;
	[tilespmem:$0x10100] =	vst v63  }
0x9d: {  	_ = 	snop  }
0x9e: {  	[hbm4b:s6+s2] =	stream.indirect_vreg.scatter [tilespmem:s10], [sflag:$0x1], $0x80, v3, vm0, $0xb8;
	[tilespmem:$0x10100] =	vst v63  }
0x9f: {  	v3 =	vld [tilespmem:$0xA0];
	_ =	sdelay $0x4  }
0xa0: {  	v62 =	vshll.u32 v3, $0x3  }
0xa1: {  	v3 =	vand.u32 $0x7, v3;
	v4 =	vand.u32 $0xFFFFFFC0, v62  }
0xa2: {  	v3 =	vor.u32 v3, v4  }
0xa3: {  	v4 =	vperm.xlane v3, v0;
	_ =	sdelay $0x1  }
0xa4: {  	v4 =	vadd.s32 v1, v4;
	_ =	sdelay $0x4  }
0xa5: {  	[hbm4b:s3+s2] =	stream.indirect_vreg.scatter [tilespmem:s11], [sflag:$0x1], $0x80, v4, vm0, $0xb8;
	[tilespmem:$0x10100] =	vst v63  }
0xa6: {  	v3 =	vperm.xlane v3, v2  }
0xa7: {  	[hbm4b:s4+s2] =	stream.indirect_vreg.scatter [tilespmem:s12], [sflag:$0x1], $0x80, v4, vm0, $0xb8;
	[tilespmem:$0x10100] =	vst v63  }
0xa8: {  	v3 =	vadd.s32 v1, v3  }
0xa9: {  	[hbm4b:s5+s2] =	stream.indirect_vreg.scatter [tilespmem:s13], [sflag:$0x1], $0x80, v4, vm0, $0xb8;
	[tilespmem:$0x10100] =	vst v63  }
0xaa: {  	_ = 	snop  }
0xab: {  	[hbm4b:s6+s2] =	stream.indirect_vreg.scatter [tilespmem:s14], [sflag:$0x1], $0x80, v4, vm0, $0xb8;
	[tilespmem:$0x10100] =	vst v63  }
0xac: {  	_ = 	snop  }
0xad: {  	[hbm4b:s3+s2] =	stream.indirect_vreg.scatter [tilespmem:s15], [sflag:$0x1], $0x80, v3, vm0, $0xb8;
	[tilespmem:$0x10100] =	vst v63  }
0xae: {  	_ = 	snop  }
0xaf: {  	[hbm4b:s4+s2] =	stream.indirect_vreg.scatter [tilespmem:s16], [sflag:$0x1], $0x80, v3, vm0, $0xb8;
	[tilespmem:$0x10100] =	vst v63  }
0xb0: {  	_ = 	snop  }
0xb1: {  	[hbm4b:s5+s2] =	stream.indirect_vreg.scatter [tilespmem:s17], [sflag:$0x1], $0x80, v3, vm0, $0xb8;
	[tilespmem:$0x10100] =	vst v63  }
0xb2: {  	_ = 	snop  }
0xb3: {  	[hbm4b:s6+s2] =	stream.indirect_vreg.scatter [tilespmem:s9], [sflag:$0x1], $0x80, v3, vm0, $0xb8;
	[tilespmem:$0x10100] =	vst v63  }
0xb4: {  	v3 =	vld [tilespmem:$0xB0];
	_ =	sdelay $0x4  }
0xb5: {  	v63 =	vshll.u32 v3, $0x3  }
0xb6: {  	v3 =	vand.u32 $0x7, v3;
	v4 =	vand.u32 $0xFFFFFFC0, v63  }
0xb7: {  	v3 =	vor.u32 v3, v4  }
0xb8: {  	v4 =	vperm.xlane v3, v0;
	_ =	sdelay $0x1  }
0xb9: {  	v4 =	vadd.s32 v1, v4;
	_ =	sdelay $0x3  }
0xba: {  	s19 =	simm.s32 $0xC100  }
0xbb: {  	[hbm4b:s3+s2] =	stream.indirect_vreg.scatter [tilespmem:s19], [sflag:$0x1], $0x80, v4, vm0, $0xb8;
	[tilespmem:$0x10100] =	vst v63  }
0xbc: {  	s20 =	simm.s32 $0xC900;
	v3 =	vperm.xlane v3, v2  }
0xbd: {  	[hbm4b:s4+s2] =	stream.indirect_vreg.scatter [tilespmem:s20], [sflag:$0x1], $0x80, v4, vm0, $0xb8;
	[tilespmem:$0x10100] =	vst v63  }
0xbe: {  	v3 =	vadd.s32 v1, v3;
	s19 =	simm.s32 $0xD100  }
0xbf: {  	[hbm4b:s5+s2] =	stream.indirect_vreg.scatter [tilespmem:s19], [sflag:$0x1], $0x80, v4, vm0, $0xb8;
	[tilespmem:$0x10100] =	vst v63  }
0xc0: {  	s20 =	simm.s32 $0xD900  }
0xc1: {  	[hbm4b:s6+s2] =	stream.indirect_vreg.scatter [tilespmem:s20], [sflag:$0x1], $0x80, v4, vm0, $0xb8;
	[tilespmem:$0x10100] =	vst v63  }
0xc2: {  	s19 =	simm.s32 $0xE100  }
0xc3: {  	[hbm4b:s3+s2] =	stream.indirect_vreg.scatter [tilespmem:s19], [sflag:$0x1], $0x80, v3, vm0, $0xb8;
	[tilespmem:$0x10100] =	vst v63  }
0xc4: {  	s20 =	simm.s32 $0xE900  }
0xc5: {  	[hbm4b:s4+s2] =	stream.indirect_vreg.scatter [tilespmem:s20], [sflag:$0x1], $0x80, v3, vm0, $0xb8;
	[tilespmem:$0x10100] =	vst v63  }
0xc6: {  	s19 =	simm.s32 $0xF100  }
0xc7: {  	[hbm4b:s5+s2] =	stream.indirect_vreg.scatter [tilespmem:s19], [sflag:$0x1], $0x80, v3, vm0, $0xb8;
	[tilespmem:$0x10100] =	vst v63  }
0xc8: {  	s20 =	simm.s32 $0x1  }
0xc9: {  	[hbm4b:s6+s2] =	stream.indirect_vreg.scatter [tilespmem:s0], [sflag:$0x1], $0x80, v3, vm0, $0xb8;
	[tilespmem:$0x10100] =	vst v63  }
0xca: {  	p0 =	sne.s32 s7, $0x1;
	_ =	swait.ge [sflag:s20], $0x10000  }
.Ltmp0:
0xcb: {  	[sflag:s20] =	ssyncset.done $0x0;
	(pc) =	sbr.rel @p0 .LBB2_1-.Ltmp0, $4  }
0xcc: {  	[sflag:s20] =	ssyncadd.s32 $0xFFFF0000  }
0xcd: {  	_ =	swait.ge [sflag:s20], $0x10000  }
0xce: {  	[sflag:s20] =	ssyncset.done $0x0  }
0xcf: {  	s7 =	sadd.s32 $0xFFFFFFFF, s7;
	[sflag:s20] =	ssyncadd.s32 $0xFFFF0000  }
0xd0: {  	_ =	sfence.sel $0x180000  }
0xd1: {  	[bflag:$0x0] =	sbarrier.arrive $0xFFFF  }
0xd2: {  	_ =	strace $0x90000047  }
0xd3: {  	s0 =	stileid.u32;
	[bflag:$0x2] =	sbarrier.arrive $0xFFFF  }
0xd4: {  	p0 =	sne.s32 s0, $0x0;
	s0 =	rddreg [dreg:$0x2]  }
0xd5: {  	s0 =	sadd.s32 @!p0 $0x100000, s0  }
0xd6: {  	[sflag:s0] =	ssyncadd.tile.s32 @!p0 $0x1;
	_ =	shalt  }
.Lfunc_end2:
_tile_overlayer_lowered:
.L_overlay_start_2:
0xd7: {  	(tag) =	ssettag $0x2  }
0xd8: {  	s0 =	rddreg [dreg:$0x0];
	s2 =	stileid.u32  }
0xd9: {  	s1 =	rddreg [dreg:$0x1];
	p0 =	sne.s32 s2, $0x0  }
0xda: {  	s3 =	rddreg [dreg:$0x2];
	[bflag:$0x3] =	sbarrier.arrive $0xFFFF;
	s2 =	simm.s32 @!p0 $0x1C02  }
0xdb: {  	[timem:s3], [sflag:s2] =	dma.local @!p0 [hbm:s0], s1  }
0xdc: {  	s0 =	simm.s32 @!p0 $0x2  }
0xdd: {  	_ =	swait.ge @!p0 [sflag:s0], s1  }
0xde: {  	s1 =	ssub.s32 @!p0 $0x0, s1;
	[sflag:s0] =	ssyncset.done @!p0 $0x0  }
0xdf: {  	[sflag:s0] =	ssyncadd.s32 @!p0 s1  }
0xe0: {  	[bflag:$0x3] =	sbarrier.arrive $0xFFFF  }
0xe1: {  	_ =	shalt  }

</sc_bundles>
